<compile_context>
chip_gen: v7x
topology: tpu7x:2x2x1
jax: 0.10.2.dev20260603
libtpu: 0.0.44.dev20260713+nightly
codegen_flags: <defaults>
</compile_context>

<pallas_src>
import functools

import jax
import jax.numpy as jnp
from jax import lax
from jax.experimental import pallas as pl
from jax.experimental.pallas import tpu as pltpu
from jax.experimental.pallas import tpu_sc as plsc

N = 10000
E = 320000
D = 128

NC = 2
NS = 16
NW = NC * NS

EPW = E // NW
CH = 80
NCH = 125
EPWP = NCH * CH
NROWS = N
RPT = 624
REM = N - NS * RPT
REM_OFF = NS * RPT


def _sc_aggregate(h, ei):
  mesh = plsc.VectorSubcoreMesh(core_axis_name="c", subcore_axis_name="s")

  @functools.partial(
      pl.kernel,
      mesh=mesh,
      out_type=jax.ShapeDtypeStruct((NC, N, D), jnp.float32),
      scratch_types=[
          pltpu.VMEM((EPWP,), jnp.int32),
          pltpu.VMEM((EPWP,), jnp.int32),
          pltpu.VMEM((CH, D), jnp.float32),
          pltpu.VMEM((CH, D), jnp.float32),
          pltpu.VMEM((CH, D), jnp.float32),
          pltpu.VMEM_SHARED((NROWS, D), jnp.float32),
          pltpu.SemaphoreType.DMA,
          pltpu.SemaphoreType.DMA,
          pltpu.SemaphoreType.DMA,
          pltpu.SemaphoreType.DMA,
          pltpu.SemaphoreType.DMA,
      ],
  )
  def agg_kernel(h_hbm, ei_hbm, out_hbm, srcall_v, dstall_v,
                 rows_a, rows_b, rows_c, acc_sh,
                 sem_a, sem_b, sem_c, sem_d, sem_e):
    cid = lax.axis_index("c")
    sid = lax.axis_index("s")
    wid = sid * NC + cid

    ebase = wid * EPWP
    init_cp = pltpu.async_copy(h_hbm.at[pl.ds(sid * RPT, RPT)],
                               acc_sh.at[pl.ds(sid * RPT, RPT)], sem_e)
    pre_cp = pltpu.async_copy(ei_hbm.at[pl.ds(ebase, EPWP)], srcall_v, sem_b)
    dpre_cp = pltpu.async_copy(ei_hbm.at[pl.ds(E + ebase, EPWP)], dstall_v,
                               sem_d)

    @pl.when(sid == 0)
    def _():
      pltpu.async_copy(h_hbm.at[pl.ds(REM_OFF, REM)],
                       acc_sh.at[pl.ds(REM_OFF, REM)], sem_c).wait()

    def gather(c, rows, sem):
      pltpu.async_copy(h_hbm.at[srcall_v.at[pl.ds(c * CH, CH)]], rows, sem)

    def scat(c, rows, sem):
      pltpu.make_async_copy(h_hbm.at[pl.ds(0, CH)], rows, sem).wait()
      pltpu.sync_copy(rows, acc_sh.at[dstall_v.at[pl.ds(c * CH, CH)]],
                      add=True)

    pre_cp.wait()
    gather(0, rows_a, sem_a)
    gather(1, rows_b, sem_b)
    init_cp.wait()
    dpre_cp.wait()
    plsc.subcore_barrier()

    def body(g, carry):
      c = 3 * g
      gather(c + 2, rows_c, sem_c)
      scat(c, rows_a, sem_a)
      gather(c + 3, rows_a, sem_a)
      scat(c + 1, rows_b, sem_b)
      gather(c + 4, rows_b, sem_b)
      scat(c + 2, rows_c, sem_c)
      return carry

    lax.fori_loop(0, NCH // 3, body, 0)
    scat(NCH - 2, rows_a, sem_a)
    scat(NCH - 1, rows_b, sem_b)
    plsc.subcore_barrier()

    pltpu.sync_copy(acc_sh.at[pl.ds(sid * RPT, RPT)],
                    out_hbm.at[cid, pl.ds(sid * RPT, RPT)])

    @pl.when(sid == 0)
    def _():
      pltpu.sync_copy(acc_sh.at[pl.ds(REM_OFF, REM)],
                      out_hbm.at[cid, pl.ds(REM_OFF, REM)])

  return agg_kernel(h, ei)


def _tc_layer(x, p, W, b, final):
  BR = 2000

  def body(x_ref, p_ref, w_ref, bias_ref, o_ref):
    rst = p_ref[0] + p_ref[1] - x_ref[...]
    y = jnp.dot(rst, w_ref[...], preferred_element_type=jnp.float32)
    y = jnp.maximum(y + bias_ref[...], 0.0)
    if final:
      m = jnp.max(y, axis=-1, keepdims=True)
      s = jnp.sum(jnp.exp(y - m), axis=-1, keepdims=True)
      y = y - (m + jnp.log(s))
    o_ref[...] = y

  row_spec = pl.BlockSpec((BR, D), lambda i: (i, 0))
  return pl.pallas_call(
      body,
      grid=(N // BR,),
      in_specs=[
          row_spec,
          pl.BlockSpec((NC, BR, D), lambda i: (0, i, 0)),
          pl.BlockSpec((D, D), lambda i: (0, 0)),
          pl.BlockSpec((1, D), lambda i: (0, 0)),
      ],
      out_specs=row_spec,
      out_shape=jax.ShapeDtypeStruct((N, D), jnp.float32),
  )(x, p, W, b)


def kernel(h, edge_index, W1, b1, W2, b2):
  ei = edge_index.reshape(2 * E)
  b1r = b1.reshape(1, D)
  b2r = b2.reshape(1, D)

  p = _sc_aggregate(h, ei)
  h1 = _tc_layer(h, p, W1, b1r, final=False)
  p2 = _sc_aggregate(h1, ei)
  return _tc_layer(h1, p2, W2, b2r, final=True)

# --- scband reference (transcript-rebuilt; emitter-appended) ---
"""Pipeline reference for scband-gin-52621939310707 (READ-ONLY COPY).

The authoritative reference and input builder live on the scoring server;
editing this copy changes nothing except your own understanding.
"""

import jax, jax.numpy as jnp
import numpy as np

N_NODES = 10000
N_EDGES = 320000
D = 128

def setup_inputs(seed: int = 0) -> dict:
    key = jax.random.key(seed)
    k1, k2, k3, k4 = jax.random.split(key, 4)
    h = jax.random.normal(k1, (N_NODES, D), dtype=jnp.float32)
    edge_index = jax.random.randint(k2, (2, N_EDGES), 0, N_NODES, dtype=jnp.int32)
    scale = 1.0 / np.sqrt(D)
    W1 = jax.random.normal(k3, (D, D), dtype=jnp.float32) * scale
    b1 = jnp.zeros((D,), dtype=jnp.float32)
    W2 = jax.random.normal(k4, (D, D), dtype=jnp.float32) * scale
    b2 = jnp.zeros((D,), dtype=jnp.float32)
    return {"h": h, "edge_index": edge_index, "W1": W1, "b1": b1, "W2": W2, "b2": b2}

def _gin_layer(x, src, dst, W, b):
    # DGL GINConv with sum aggregator, eps=0 (not learned):
    # rst = apply_func((1 + eps) * x + sum_{j in N(i)} x_j), then activation
    msgs = x[src]                                    # gather (memory-bound)
    agg = jnp.zeros_like(x).at[dst].add(msgs)        # scatter-add (memory-bound)
    rst = (1.0 + 0.0) * x + agg
    rst = rst @ W + b                                # apply_func = Linear
    return jax.nn.relu(rst)                          # activation

def reference(h, edge_index, W1, b1, W2, b2):
    src = edge_index[0]
    dst = edge_index[1]
    h = _gin_layer(h, src, dst, W1, b1)
    h = _gin_layer(h, src, dst, W2, b2)
    return jax.nn.log_softmax(h, axis=-1)

if __name__ == "__main__":
    import jax
    _d = setup_inputs()
    print(jax.jit(kernel)(*tuple(_d.values())))

</pallas_src>

<mosaic_0001>
#map = affine_map<(d0, d1) -> (0, 0)>
#map1 = affine_map<(d0, d1) -> (0)>
#map2 = affine_map<(d0, d1) -> (0, 0, 0)>
module attributes {stable_mosaic.version = 14 : i64} {
  func.func @agg_kernel(%arg0: i32, %arg1: i32, %arg2: memref<10000x128xf32, #tpu.memory_space<hbm>>, %arg3: memref<640000xi32, #tpu.memory_space<hbm>>, %arg4: memref<2x10000x128xf32, #tpu.memory_space<hbm>>, %arg5: memref<10000xi32, #tpu.memory_space<vmem>>, %arg6: memref<10000xi32, #tpu.memory_space<vmem>>, %arg7: memref<80x128xf32, #tpu.memory_space<vmem>>, %arg8: memref<80x128xf32, #tpu.memory_space<vmem>>, %arg9: memref<80x128xf32, #tpu.memory_space<vmem>>, %arg10: memref<10000x128xf32, #tpu.memory_space<vmem_shared>>, %arg11: memref<!tpu.dma_semaphore, #tpu.memory_space<semaphore_mem>>, %arg12: memref<!tpu.dma_semaphore, #tpu.memory_space<semaphore_mem>>, %arg13: memref<!tpu.dma_semaphore, #tpu.memory_space<semaphore_mem>>, %arg14: memref<!tpu.dma_semaphore, #tpu.memory_space<semaphore_mem>>, %arg15: memref<!tpu.dma_semaphore, #tpu.memory_space<semaphore_mem>>) attributes {dimension_semantics = [#tpu.dimension_semantics<core_parallel>, #tpu.dimension_semantics<subcore_parallel>], iteration_bounds = array<i64: 2, 16>, scalar_prefetch = 0 : i64, scratch_operands = 11 : i64, tpu.core_type = #tpu.core_type<sc_vector_subcore>, window_params = [{transform_indices = #map}, {transform_indices = #map1}, {transform_indices = #map2}]} {
    %mul3A = arith.constant 2 : i32
    %mul3A_0 = arith.muli %arg1, %mul3A : i32
    %add3A = arith.addi %mul3A_0, %arg0 : i32
    %mul3A_1 = arith.constant 10000 : i32
    %mul3A_2 = arith.muli %add3A, %mul3A_1 : i32
    %mul3A_3 = arith.constant 624 : i32
    %mul3A_4 = arith.muli %arg1, %mul3A_3 : i32
    %mul3A_5 = arith.constant 624 : i32
    %mul3A_6 = arith.muli %arg1, %mul3A_5 : i32
    %dma_start3A = arith.constant 0 : i32
    %dma_start3A_7 = tpu.memref_slice %arg10[%mul3A_6, %dma_start3A] : memref<10000x128xf32, #tpu.memory_space<vmem_shared>> -> memref<624x128xf32, #tpu.memory_space<vmem_shared>>
    %dma_start3A_8 = arith.constant 0 : i32
    %dma_start3A_9 = tpu.memref_slice %arg2[%mul3A_4, %dma_start3A_8] : memref<10000x128xf32, #tpu.memory_space<hbm>> -> memref<624x128xf32, #tpu.memory_space<hbm>>
    tpu.enqueue_dma source(%dma_start3A_9 : memref<624x128xf32, #tpu.memory_space<hbm>>) target(%dma_start3A_7 : memref<624x128xf32, #tpu.memory_space<vmem_shared>>) target_semaphore(%arg15 : memref<!tpu.dma_semaphore, #tpu.memory_space<semaphore_mem>>)
    %dma_start3A_10 = tpu.memref_slice %arg3[%mul3A_2] : memref<640000xi32, #tpu.memory_space<hbm>> -> memref<10000xi32, #tpu.memory_space<hbm>>
    %dma_start3A_11 = tpu.memref_slice %arg3[%mul3A_2] : memref<640000xi32, #tpu.memory_space<hbm>> -> memref<10000xi32, #tpu.memory_space<hbm>>
    tpu.enqueue_dma source(%dma_start3A_11 : memref<10000xi32, #tpu.memory_space<hbm>>) target(%arg5 : memref<10000xi32, #tpu.memory_space<vmem>>) target_semaphore(%arg12 : memref<!tpu.dma_semaphore, #tpu.memory_space<semaphore_mem>>)
    %add3A_12 = arith.constant 320000 : i32
    %add3A_13 = arith.addi %add3A_12, %mul3A_2 : i32
    %dma_start3A_14 = tpu.memref_slice %arg3[%add3A_13] : memref<640000xi32, #tpu.memory_space<hbm>> -> memref<10000xi32, #tpu.memory_space<hbm>>
    %dma_start3A_15 = tpu.memref_slice %arg3[%add3A_13] : memref<640000xi32, #tpu.memory_space<hbm>> -> memref<10000xi32, #tpu.memory_space<hbm>>
    tpu.enqueue_dma source(%dma_start3A_15 : memref<10000xi32, #tpu.memory_space<hbm>>) target(%arg6 : memref<10000xi32, #tpu.memory_space<vmem>>) target_semaphore(%arg14 : memref<!tpu.dma_semaphore, #tpu.memory_space<semaphore_mem>>)
    %eq3A = arith.constant 0 : i32
    %eq3A_16 = arith.cmpi eq, %arg1, %eq3A : i32
    %convert_element_type3A = arith.extui %eq3A_16 : i1 to i32
    %cond3A = arith.constant 0 : i32
    %cond3A_17 = arith.cmpi ne, %convert_element_type3A, %cond3A : i32
    scf.if %cond3A_17 {
      %dma_start3A_62 = arith.constant 9984 : i32
      %dma_start3A_63 = arith.constant 0 : i32
      %dma_start3A_64 = tpu.memref_slice %arg10[%dma_start3A_62, %dma_start3A_63] : memref<10000x128xf32, #tpu.memory_space<vmem_shared>> -> memref<16x128xf32, #tpu.memory_space<vmem_shared>>
      %dma_start3A_65 = arith.constant 9984 : i32
      %dma_start3A_66 = arith.constant 0 : i32
      %dma_start3A_67 = tpu.memref_slice %arg2[%dma_start3A_65, %dma_start3A_66] : memref<10000x128xf32, #tpu.memory_space<hbm>> -> memref<16x128xf32, #tpu.memory_space<hbm>>
      tpu.enqueue_dma source(%dma_start3A_67 : memref<16x128xf32, #tpu.memory_space<hbm>>) target(%dma_start3A_64 : memref<16x128xf32, #tpu.memory_space<vmem_shared>>) target_semaphore(%arg13 : memref<!tpu.dma_semaphore, #tpu.memory_space<semaphore_mem>>)
      %dma_wait3A_68 = arith.constant 9984 : i32
      %dma_wait3A_69 = arith.constant 0 : i32
      %dma_wait3A_70 = tpu.memref_slice %arg10[%dma_wait3A_68, %dma_wait3A_69] : memref<10000x128xf32, #tpu.memory_space<vmem_shared>> -> memref<16x128xf32, #tpu.memory_space<vmem_shared>>
      %dma_wait3A_71 = arith.constant 9984 : i32
      %dma_wait3A_72 = arith.constant 0 : i32
      %dma_wait3A_73 = tpu.memref_slice %arg2[%dma_wait3A_71, %dma_wait3A_72] : memref<10000x128xf32, #tpu.memory_space<hbm>> -> memref<16x128xf32, #tpu.memory_space<hbm>>
      tpu.wait_dma2 semaphore(%arg13 : memref<!tpu.dma_semaphore, #tpu.memory_space<semaphore_mem>>) src(%dma_wait3A_73 : memref<16x128xf32, #tpu.memory_space<hbm>>) dst(%dma_wait3A_70 : memref<16x128xf32, #tpu.memory_space<vmem_shared>>)
    } else {
    }
    %dma_wait3A = tpu.memref_slice %arg3[%mul3A_2] : memref<640000xi32, #tpu.memory_space<hbm>> -> memref<10000xi32, #tpu.memory_space<hbm>>
    %dma_wait3A_18 = tpu.memref_slice %arg3[%mul3A_2] : memref<640000xi32, #tpu.memory_space<hbm>> -> memref<10000xi32, #tpu.memory_space<hbm>>
    tpu.wait_dma2 semaphore(%arg12 : memref<!tpu.dma_semaphore, #tpu.memory_space<semaphore_mem>>) src(%dma_wait3A_18 : memref<10000xi32, #tpu.memory_space<hbm>>) dst(%arg5 : memref<10000xi32, #tpu.memory_space<vmem>>)
    %dma_start3A_19 = arith.constant 0 : i32
    %dma_start3A_20 = tpu.memref_slice %arg5[%dma_start3A_19] : memref<10000xi32, #tpu.memory_space<vmem>> -> memref<80xi32, #tpu.memory_space<vmem>>
    %dma_start3A_21 = arith.constant 0 : i32
    %dma_start3A_22 = arith.constant 0 : i32
    %dma_start3A_23 = tpu.memref_slice %arg2[%dma_start3A_21, %dma_start3A_22] : memref<10000x128xf32, #tpu.memory_space<hbm>> -> memref<10000x128xf32, #tpu.memory_space<hbm>>
    tpu.enqueue_indirect_dma source(%dma_start3A_23 : memref<10000x128xf32, #tpu.memory_space<hbm>>) target(%arg7 : memref<80x128xf32, #tpu.memory_space<vmem>>) offsets(%dma_start3A_20 : memref<80xi32, #tpu.memory_space<vmem>>) semaphore(%arg11 : memref<!tpu.dma_semaphore, #tpu.memory_space<semaphore_mem>>)
    %dma_start3A_24 = arith.constant 80 : i32
    %dma_start3A_25 = tpu.memref_slice %arg5[%dma_start3A_24] : memref<10000xi32, #tpu.memory_space<vmem>> -> memref<80xi32, #tpu.memory_space<vmem>>
    %dma_start3A_26 = arith.constant 0 : i32
    %dma_start3A_27 = arith.constant 0 : i32
    %dma_start3A_28 = tpu.memref_slice %arg2[%dma_start3A_26, %dma_start3A_27] : memref<10000x128xf32, #tpu.memory_space<hbm>> -> memref<10000x128xf32, #tpu.memory_space<hbm>>
    tpu.enqueue_indirect_dma source(%dma_start3A_28 : memref<10000x128xf32, #tpu.memory_space<hbm>>) target(%arg8 : memref<80x128xf32, #tpu.memory_space<vmem>>) offsets(%dma_start3A_25 : memref<80xi32, #tpu.memory_space<vmem>>) semaphore(%arg12 : memref<!tpu.dma_semaphore, #tpu.memory_space<semaphore_mem>>)
    %dma_wait3A_29 = arith.constant 0 : i32
    %dma_wait3A_30 = tpu.memref_slice %arg10[%mul3A_6, %dma_wait3A_29] : memref<10000x128xf32, #tpu.memory_space<vmem_shared>> -> memref<624x128xf32, #tpu.memory_space<vmem_shared>>
    %dma_wait3A_31 = arith.constant 0 : i32
    %dma_wait3A_32 = tpu.memref_slice %arg2[%mul3A_4, %dma_wait3A_31] : memref<10000x128xf32, #tpu.memory_space<hbm>> -> memref<624x128xf32, #tpu.memory_space<hbm>>
    tpu.wait_dma2 semaphore(%arg15 : memref<!tpu.dma_semaphore, #tpu.memory_space<semaphore_mem>>) src(%dma_wait3A_32 : memref<624x128xf32, #tpu.memory_space<hbm>>) dst(%dma_wait3A_30 : memref<624x128xf32, #tpu.memory_space<vmem_shared>>)
    %dma_wait3A_33 = tpu.memref_slice %arg3[%add3A_13] : memref<640000xi32, #tpu.memory_space<hbm>> -> memref<10000xi32, #tpu.memory_space<hbm>>
    %dma_wait3A_34 = tpu.memref_slice %arg3[%add3A_13] : memref<640000xi32, #tpu.memory_space<hbm>> -> memref<10000xi32, #tpu.memory_space<hbm>>
    tpu.wait_dma2 semaphore(%arg14 : memref<!tpu.dma_semaphore, #tpu.memory_space<semaphore_mem>>) src(%dma_wait3A_34 : memref<10000xi32, #tpu.memory_space<hbm>>) dst(%arg6 : memref<10000xi32, #tpu.memory_space<vmem>>)
    %barrier3A = arith.constant 0 : index
    tpu.barrier barrier_id(%barrier3A)
    %scan3A = arith.constant 0 : i32
    %scan3A_35 = arith.constant 0 : i32
    %scan3A_36 = arith.constant 41 : i32
    %scan3A_37 = arith.addi %scan3A_35, %scan3A_36 : i32
    %scan3A_38 = arith.constant 1 : i32
    scf.for %scan3A_62 = %scan3A_35 to %scan3A_37 step %scan3A_38  : i32 {
      %mul3A_63 = arith.constant 3 : i32
      %mul3A_64 = arith.muli %mul3A_63, %scan3A_62 : i32
      %add3A_65 = arith.constant 2 : i32
      %add3A_66 = arith.addi %mul3A_64, %add3A_65 : i32
      %mul3A_67 = arith.constant 80 : i32
      %mul3A_68 = arith.muli %add3A_66, %mul3A_67 : i32
      %dma_start3A_69 = tpu.memref_slice %arg5[%mul3A_68] : memref<10000xi32, #tpu.memory_space<vmem>> -> memref<80xi32, #tpu.memory_space<vmem>>
      %dma_start3A_70 = arith.constant 0 : i32
      %dma_start3A_71 = arith.constant 0 : i32
      %dma_start3A_72 = tpu.memref_slice %arg2[%dma_start3A_70, %dma_start3A_71] : memref<10000x128xf32, #tpu.memory_space<hbm>> -> memref<10000x128xf32, #tpu.memory_space<hbm>>
      tpu.enqueue_indirect_dma source(%dma_start3A_72 : memref<10000x128xf32, #tpu.memory_space<hbm>>) target(%arg9 : memref<80x128xf32, #tpu.memory_space<vmem>>) offsets(%dma_start3A_69 : memref<80xi32, #tpu.memory_space<vmem>>) semaphore(%arg13 : memref<!tpu.dma_semaphore, #tpu.memory_space<semaphore_mem>>)
      %dma_wait3A_73 = arith.constant 0 : i32
      %dma_wait3A_74 = arith.constant 0 : i32
      %dma_wait3A_75 = tpu.memref_slice %arg2[%dma_wait3A_73, %dma_wait3A_74] : memref<10000x128xf32, #tpu.memory_space<hbm>> -> memref<80x128xf32, #tpu.memory_space<hbm>>
      %dma_wait3A_76 = arith.constant 0 : i32
      %dma_wait3A_77 = arith.constant 0 : i32
      %dma_wait3A_78 = tpu.memref_slice %arg2[%dma_wait3A_76, %dma_wait3A_77] : memref<10000x128xf32, #tpu.memory_space<hbm>> -> memref<80x128xf32, #tpu.memory_space<hbm>>
      tpu.wait_dma2 semaphore(%arg11 : memref<!tpu.dma_semaphore, #tpu.memory_space<semaphore_mem>>) src(%dma_wait3A_78 : memref<80x128xf32, #tpu.memory_space<hbm>>) dst(%arg7 : memref<80x128xf32, #tpu.memory_space<vmem>>)
      %mul3A_79 = arith.constant 80 : i32
      %mul3A_80 = arith.muli %mul3A_64, %mul3A_79 : i32
      "tpu.region"() ({
        %run_scoped3A = tpu.sem_alloc : memref<!tpu.dma_semaphore, #tpu.memory_space<semaphore_mem>>
        %dma_start3A_117 = tpu.memref_slice %arg6[%mul3A_80] : memref<10000xi32, #tpu.memory_space<vmem>> -> memref<80xi32, #tpu.memory_space<vmem>>
        %dma_start3A_118 = arith.constant 0 : i32
        %dma_start3A_119 = arith.constant 0 : i32
        %dma_start3A_120 = tpu.memref_slice %arg10[%dma_start3A_118, %dma_start3A_119] : memref<10000x128xf32, #tpu.memory_space<vmem_shared>> -> memref<10000x128xf32, #tpu.memory_space<vmem_shared>>
        tpu.enqueue_indirect_dma source(%arg7 : memref<80x128xf32, #tpu.memory_space<vmem>>) target(%dma_start3A_120 : memref<10000x128xf32, #tpu.memory_space<vmem_shared>>) offsets(%dma_start3A_117 : memref<80xi32, #tpu.memory_space<vmem>>) semaphore(%run_scoped3A : memref<!tpu.dma_semaphore, #tpu.memory_space<semaphore_mem>>) {add = true}
        %dma_wait3A_121 = tpu.memref_slice %arg6[%mul3A_80] : memref<10000xi32, #tpu.memory_space<vmem>> -> memref<80xi32, #tpu.memory_space<vmem>>
        %dma_wait3A_122 = arith.constant 0 : i32
        %dma_wait3A_123 = arith.constant 0 : i32
        %dma_wait3A_124 = tpu.memref_slice %arg10[%dma_wait3A_122, %dma_wait3A_123] : memref<10000x128xf32, #tpu.memory_space<vmem_shared>> -> memref<10000x128xf32, #tpu.memory_space<vmem_shared>>
        tpu.wait_indirect_dma semaphore(%run_scoped3A : memref<!tpu.dma_semaphore, #tpu.memory_space<semaphore_mem>>) src(%arg7 : memref<80x128xf32, #tpu.memory_space<vmem>>) dst(%dma_wait3A_124 : memref<10000x128xf32, #tpu.memory_space<vmem_shared>>)
        tpu.yield
      }) : () -> ()
      %add3A_81 = arith.constant 3 : i32
      %add3A_82 = arith.addi %mul3A_64, %add3A_81 : i32
      %mul3A_83 = arith.constant 80 : i32
      %mul3A_84 = arith.muli %add3A_82, %mul3A_83 : i32
      %dma_start3A_85 = tpu.memref_slice %arg5[%mul3A_84] : memref<10000xi32, #tpu.memory_space<vmem>> -> memref<80xi32, #tpu.memory_space<vmem>>
      %dma_start3A_86 = arith.constant 0 : i32
      %dma_start3A_87 = arith.constant 0 : i32
      %dma_start3A_88 = tpu.memref_slice %arg2[%dma_start3A_86, %dma_start3A_87] : memref<10000x128xf32, #tpu.memory_space<hbm>> -> memref<10000x128xf32, #tpu.memory_space<hbm>>
      tpu.enqueue_indirect_dma source(%dma_start3A_88 : memref<10000x128xf32, #tpu.memory_space<hbm>>) target(%arg7 : memref<80x128xf32, #tpu.memory_space<vmem>>) offsets(%dma_start3A_85 : memref<80xi32, #tpu.memory_space<vmem>>) semaphore(%arg11 : memref<!tpu.dma_semaphore, #tpu.memory_space<semaphore_mem>>)
      %add3A_89 = arith.constant 1 : i32
      %add3A_90 = arith.addi %mul3A_64, %add3A_89 : i32
      %dma_wait3A_91 = arith.constant 0 : i32
      %dma_wait3A_92 = arith.constant 0 : i32
      %dma_wait3A_93 = tpu.memref_slice %arg2[%dma_wait3A_91, %dma_wait3A_92] : memref<10000x128xf32, #tpu.memory_space<hbm>> -> memref<80x128xf32, #tpu.memory_space<hbm>>
      %dma_wait3A_94 = arith.constant 0 : i32
      %dma_wait3A_95 = arith.constant 0 : i32
      %dma_wait3A_96 = tpu.memref_slice %arg2[%dma_wait3A_94, %dma_wait3A_95] : memref<10000x128xf32, #tpu.memory_space<hbm>> -> memref<80x128xf32, #tpu.memory_space<hbm>>
      tpu.wait_dma2 semaphore(%arg12 : memref<!tpu.dma_semaphore, #tpu.memory_space<semaphore_mem>>) src(%dma_wait3A_96 : memref<80x128xf32, #tpu.memory_space<hbm>>) dst(%arg8 : memref<80x128xf32, #tpu.memory_space<vmem>>)
      %mul3A_97 = arith.constant 80 : i32
      %mul3A_98 = arith.muli %add3A_90, %mul3A_97 : i32
      "tpu.region"() ({
        %run_scoped3A = tpu.sem_alloc : memref<!tpu.dma_semaphore, #tpu.memory_space<semaphore_mem>>
        %dma_start3A_117 = tpu.memref_slice %arg6[%mul3A_98] : memref<10000xi32, #tpu.memory_space<vmem>> -> memref<80xi32, #tpu.memory_space<vmem>>
        %dma_start3A_118 = arith.constant 0 : i32
        %dma_start3A_119 = arith.constant 0 : i32
        %dma_start3A_120 = tpu.memref_slice %arg10[%dma_start3A_118, %dma_start3A_119] : memref<10000x128xf32, #tpu.memory_space<vmem_shared>> -> memref<10000x128xf32, #tpu.memory_space<vmem_shared>>
        tpu.enqueue_indirect_dma source(%arg8 : memref<80x128xf32, #tpu.memory_space<vmem>>) target(%dma_start3A_120 : memref<10000x128xf32, #tpu.memory_space<vmem_shared>>) offsets(%dma_start3A_117 : memref<80xi32, #tpu.memory_space<vmem>>) semaphore(%run_scoped3A : memref<!tpu.dma_semaphore, #tpu.memory_space<semaphore_mem>>) {add = true}
        %dma_wait3A_121 = tpu.memref_slice %arg6[%mul3A_98] : memref<10000xi32, #tpu.memory_space<vmem>> -> memref<80xi32, #tpu.memory_space<vmem>>
        %dma_wait3A_122 = arith.constant 0 : i32
        %dma_wait3A_123 = arith.constant 0 : i32
        %dma_wait3A_124 = tpu.memref_slice %arg10[%dma_wait3A_122, %dma_wait3A_123] : memref<10000x128xf32, #tpu.memory_space<vmem_shared>> -> memref<10000x128xf32, #tpu.memory_space<vmem_shared>>
        tpu.wait_indirect_dma semaphore(%run_scoped3A : memref<!tpu.dma_semaphore, #tpu.memory_space<semaphore_mem>>) src(%arg8 : memref<80x128xf32, #tpu.memory_space<vmem>>) dst(%dma_wait3A_124 : memref<10000x128xf32, #tpu.memory_space<vmem_shared>>)
        tpu.yield
      }) : () -> ()
      %add3A_99 = arith.constant 4 : i32
      %add3A_100 = arith.addi %mul3A_64, %add3A_99 : i32
      %mul3A_101 = arith.constant 80 : i32
      %mul3A_102 = arith.muli %add3A_100, %mul3A_101 : i32
      %dma_start3A_103 = tpu.memref_slice %arg5[%mul3A_102] : memref<10000xi32, #tpu.memory_space<vmem>> -> memref<80xi32, #tpu.memory_space<vmem>>
      %dma_start3A_104 = arith.constant 0 : i32
      %dma_start3A_105 = arith.constant 0 : i32
      %dma_start3A_106 = tpu.memref_slice %arg2[%dma_start3A_104, %dma_start3A_105] : memref<10000x128xf32, #tpu.memory_space<hbm>> -> memref<10000x128xf32, #tpu.memory_space<hbm>>
      tpu.enqueue_indirect_dma source(%dma_start3A_106 : memref<10000x128xf32, #tpu.memory_space<hbm>>) target(%arg8 : memref<80x128xf32, #tpu.memory_space<vmem>>) offsets(%dma_start3A_103 : memref<80xi32, #tpu.memory_space<vmem>>) semaphore(%arg12 : memref<!tpu.dma_semaphore, #tpu.memory_space<semaphore_mem>>)
      %add3A_107 = arith.constant 2 : i32
      %add3A_108 = arith.addi %mul3A_64, %add3A_107 : i32
      %dma_wait3A_109 = arith.constant 0 : i32
      %dma_wait3A_110 = arith.constant 0 : i32
      %dma_wait3A_111 = tpu.memref_slice %arg2[%dma_wait3A_109, %dma_wait3A_110] : memref<10000x128xf32, #tpu.memory_space<hbm>> -> memref<80x128xf32, #tpu.memory_space<hbm>>
      %dma_wait3A_112 = arith.constant 0 : i32
      %dma_wait3A_113 = arith.constant 0 : i32
      %dma_wait3A_114 = tpu.memref_slice %arg2[%dma_wait3A_112, %dma_wait3A_113] : memref<10000x128xf32, #tpu.memory_space<hbm>> -> memref<80x128xf32, #tpu.memory_space<hbm>>
      tpu.wait_dma2 semaphore(%arg13 : memref<!tpu.dma_semaphore, #tpu.memory_space<semaphore_mem>>) src(%dma_wait3A_114 : memref<80x128xf32, #tpu.memory_space<hbm>>) dst(%arg9 : memref<80x128xf32, #tpu.memory_space<vmem>>)
      %mul3A_115 = arith.constant 80 : i32
      %mul3A_116 = arith.muli %add3A_108, %mul3A_115 : i32
      "tpu.region"() ({
        %run_scoped3A = tpu.sem_alloc : memref<!tpu.dma_semaphore, #tpu.memory_space<semaphore_mem>>
        %dma_start3A_117 = tpu.memref_slice %arg6[%mul3A_116] : memref<10000xi32, #tpu.memory_space<vmem>> -> memref<80xi32, #tpu.memory_space<vmem>>
        %dma_start3A_118 = arith.constant 0 : i32
        %dma_start3A_119 = arith.constant 0 : i32
        %dma_start3A_120 = tpu.memref_slice %arg10[%dma_start3A_118, %dma_start3A_119] : memref<10000x128xf32, #tpu.memory_space<vmem_shared>> -> memref<10000x128xf32, #tpu.memory_space<vmem_shared>>
        tpu.enqueue_indirect_dma source(%arg9 : memref<80x128xf32, #tpu.memory_space<vmem>>) target(%dma_start3A_120 : memref<10000x128xf32, #tpu.memory_space<vmem_shared>>) offsets(%dma_start3A_117 : memref<80xi32, #tpu.memory_space<vmem>>) semaphore(%run_scoped3A : memref<!tpu.dma_semaphore, #tpu.memory_space<semaphore_mem>>) {add = true}
        %dma_wait3A_121 = tpu.memref_slice %arg6[%mul3A_116] : memref<10000xi32, #tpu.memory_space<vmem>> -> memref<80xi32, #tpu.memory_space<vmem>>
        %dma_wait3A_122 = arith.constant 0 : i32
        %dma_wait3A_123 = arith.constant 0 : i32
        %dma_wait3A_124 = tpu.memref_slice %arg10[%dma_wait3A_122, %dma_wait3A_123] : memref<10000x128xf32, #tpu.memory_space<vmem_shared>> -> memref<10000x128xf32, #tpu.memory_space<vmem_shared>>
        tpu.wait_indirect_dma semaphore(%run_scoped3A : memref<!tpu.dma_semaphore, #tpu.memory_space<semaphore_mem>>) src(%arg9 : memref<80x128xf32, #tpu.memory_space<vmem>>) dst(%dma_wait3A_124 : memref<10000x128xf32, #tpu.memory_space<vmem_shared>>)
        tpu.yield
      }) : () -> ()
    }
    %scan3A_39 = arith.constant 41 : i32
    %dma_wait3A_40 = arith.constant 0 : i32
    %dma_wait3A_41 = arith.constant 0 : i32
    %dma_wait3A_42 = tpu.memref_slice %arg2[%dma_wait3A_40, %dma_wait3A_41] : memref<10000x128xf32, #tpu.memory_space<hbm>> -> memref<80x128xf32, #tpu.memory_space<hbm>>
    %dma_wait3A_43 = arith.constant 0 : i32
    %dma_wait3A_44 = arith.constant 0 : i32
    %dma_wait3A_45 = tpu.memref_slice %arg2[%dma_wait3A_43, %dma_wait3A_44] : memref<10000x128xf32, #tpu.memory_space<hbm>> -> memref<80x128xf32, #tpu.memory_space<hbm>>
    tpu.wait_dma2 semaphore(%arg11 : memref<!tpu.dma_semaphore, #tpu.memory_space<semaphore_mem>>) src(%dma_wait3A_45 : memref<80x128xf32, #tpu.memory_space<hbm>>) dst(%arg7 : memref<80x128xf32, #tpu.memory_space<vmem>>)
    "tpu.region"() ({
      %run_scoped3A = tpu.sem_alloc : memref<!tpu.dma_semaphore, #tpu.memory_space<semaphore_mem>>
      %dma_start3A_62 = arith.constant 9840 : i32
      %dma_start3A_63 = tpu.memref_slice %arg6[%dma_start3A_62] : memref<10000xi32, #tpu.memory_space<vmem>> -> memref<80xi32, #tpu.memory_space<vmem>>
      %dma_start3A_64 = arith.constant 0 : i32
      %dma_start3A_65 = arith.constant 0 : i32
      %dma_start3A_66 = tpu.memref_slice %arg10[%dma_start3A_64, %dma_start3A_65] : memref<10000x128xf32, #tpu.memory_space<vmem_shared>> -> memref<10000x128xf32, #tpu.memory_space<vmem_shared>>
      tpu.enqueue_indirect_dma source(%arg7 : memref<80x128xf32, #tpu.memory_space<vmem>>) target(%dma_start3A_66 : memref<10000x128xf32, #tpu.memory_space<vmem_shared>>) offsets(%dma_start3A_63 : memref<80xi32, #tpu.memory_space<vmem>>) semaphore(%run_scoped3A : memref<!tpu.dma_semaphore, #tpu.memory_space<semaphore_mem>>) {add = true}
      %dma_wait3A_67 = arith.constant 9840 : i32
      %dma_wait3A_68 = tpu.memref_slice %arg6[%dma_wait3A_67] : memref<10000xi32, #tpu.memory_space<vmem>> -> memref<80xi32, #tpu.memory_space<vmem>>
      %dma_wait3A_69 = arith.constant 0 : i32
      %dma_wait3A_70 = arith.constant 0 : i32
      %dma_wait3A_71 = tpu.memref_slice %arg10[%dma_wait3A_69, %dma_wait3A_70] : memref<10000x128xf32, #tpu.memory_space<vmem_shared>> -> memref<10000x128xf32, #tpu.memory_space<vmem_shared>>
      tpu.wait_indirect_dma semaphore(%run_scoped3A : memref<!tpu.dma_semaphore, #tpu.memory_space<semaphore_mem>>) src(%arg7 : memref<80x128xf32, #tpu.memory_space<vmem>>) dst(%dma_wait3A_71 : memref<10000x128xf32, #tpu.memory_space<vmem_shared>>)
      tpu.yield
    }) : () -> ()
    %dma_wait3A_46 = arith.constant 0 : i32
    %dma_wait3A_47 = arith.constant 0 : i32
    %dma_wait3A_48 = tpu.memref_slice %arg2[%dma_wait3A_46, %dma_wait3A_47] : memref<10000x128xf32, #tpu.memory_space<hbm>> -> memref<80x128xf32, #tpu.memory_space<hbm>>
    %dma_wait3A_49 = arith.constant 0 : i32
    %dma_wait3A_50 = arith.constant 0 : i32
    %dma_wait3A_51 = tpu.memref_slice %arg2[%dma_wait3A_49, %dma_wait3A_50] : memref<10000x128xf32, #tpu.memory_space<hbm>> -> memref<80x128xf32, #tpu.memory_space<hbm>>
    tpu.wait_dma2 semaphore(%arg12 : memref<!tpu.dma_semaphore, #tpu.memory_space<semaphore_mem>>) src(%dma_wait3A_51 : memref<80x128xf32, #tpu.memory_space<hbm>>) dst(%arg8 : memref<80x128xf32, #tpu.memory_space<vmem>>)
    "tpu.region"() ({
      %run_scoped3A = tpu.sem_alloc : memref<!tpu.dma_semaphore, #tpu.memory_space<semaphore_mem>>
      %dma_start3A_62 = arith.constant 9920 : i32
      %dma_start3A_63 = tpu.memref_slice %arg6[%dma_start3A_62] : memref<10000xi32, #tpu.memory_space<vmem>> -> memref<80xi32, #tpu.memory_space<vmem>>
      %dma_start3A_64 = arith.constant 0 : i32
      %dma_start3A_65 = arith.constant 0 : i32
      %dma_start3A_66 = tpu.memref_slice %arg10[%dma_start3A_64, %dma_start3A_65] : memref<10000x128xf32, #tpu.memory_space<vmem_shared>> -> memref<10000x128xf32, #tpu.memory_space<vmem_shared>>
      tpu.enqueue_indirect_dma source(%arg8 : memref<80x128xf32, #tpu.memory_space<vmem>>) target(%dma_start3A_66 : memref<10000x128xf32, #tpu.memory_space<vmem_shared>>) offsets(%dma_start3A_63 : memref<80xi32, #tpu.memory_space<vmem>>) semaphore(%run_scoped3A : memref<!tpu.dma_semaphore, #tpu.memory_space<semaphore_mem>>) {add = true}
      %dma_wait3A_67 = arith.constant 9920 : i32
      %dma_wait3A_68 = tpu.memref_slice %arg6[%dma_wait3A_67] : memref<10000xi32, #tpu.memory_space<vmem>> -> memref<80xi32, #tpu.memory_space<vmem>>
      %dma_wait3A_69 = arith.constant 0 : i32
      %dma_wait3A_70 = arith.constant 0 : i32
      %dma_wait3A_71 = tpu.memref_slice %arg10[%dma_wait3A_69, %dma_wait3A_70] : memref<10000x128xf32, #tpu.memory_space<vmem_shared>> -> memref<10000x128xf32, #tpu.memory_space<vmem_shared>>
      tpu.wait_indirect_dma semaphore(%run_scoped3A : memref<!tpu.dma_semaphore, #tpu.memory_space<semaphore_mem>>) src(%arg8 : memref<80x128xf32, #tpu.memory_space<vmem>>) dst(%dma_wait3A_71 : memref<10000x128xf32, #tpu.memory_space<vmem_shared>>)
      tpu.yield
    }) : () -> ()
    %barrier3A_52 = arith.constant 0 : index
    tpu.barrier barrier_id(%barrier3A_52)
    %mul3A_53 = arith.constant 624 : i32
    %mul3A_54 = arith.muli %arg1, %mul3A_53 : i32
    %mul3A_55 = arith.constant 624 : i32
    %mul3A_56 = arith.muli %arg1, %mul3A_55 : i32
    "tpu.region"() ({
      %run_scoped3A = tpu.sem_alloc : memref<!tpu.dma_semaphore, #tpu.memory_space<semaphore_mem>>
      %dma_start3A_62 = arith.constant 0 : i32
      %dma_start3A_63 = tpu.memref_slice %arg4[%arg0, %mul3A_56, %dma_start3A_62] : memref<2x10000x128xf32, #tpu.memory_space<hbm>> -> memref<1x624x128xf32, #tpu.memory_space<hbm>>
      %dma_start3A_64 = tpu.memref_squeeze %dma_start3A_63 : memref<1x624x128xf32, #tpu.memory_space<hbm>> -> memref<624x128xf32, #tpu.memory_space<hbm>>
      %dma_start3A_65 = arith.constant 0 : i32
      %dma_start3A_66 = tpu.memref_slice %arg10[%mul3A_54, %dma_start3A_65] : memref<10000x128xf32, #tpu.memory_space<vmem_shared>> -> memref<624x128xf32, #tpu.memory_space<vmem_shared>>
      tpu.enqueue_dma source(%dma_start3A_66 : memref<624x128xf32, #tpu.memory_space<vmem_shared>>) target(%dma_start3A_64 : memref<624x128xf32, #tpu.memory_space<hbm>>) target_semaphore(%run_scoped3A : memref<!tpu.dma_semaphore, #tpu.memory_space<semaphore_mem>>)
      %dma_wait3A_67 = arith.constant 0 : i32
      %dma_wait3A_68 = tpu.memref_slice %arg4[%arg0, %mul3A_56, %dma_wait3A_67] : memref<2x10000x128xf32, #tpu.memory_space<hbm>> -> memref<1x624x128xf32, #tpu.memory_space<hbm>>
      %dma_wait3A_69 = tpu.memref_squeeze %dma_wait3A_68 : memref<1x624x128xf32, #tpu.memory_space<hbm>> -> memref<624x128xf32, #tpu.memory_space<hbm>>
      %dma_wait3A_70 = arith.constant 0 : i32
      %dma_wait3A_71 = tpu.memref_slice %arg10[%mul3A_54, %dma_wait3A_70] : memref<10000x128xf32, #tpu.memory_space<vmem_shared>> -> memref<624x128xf32, #tpu.memory_space<vmem_shared>>
      tpu.wait_dma2 semaphore(%run_scoped3A : memref<!tpu.dma_semaphore, #tpu.memory_space<semaphore_mem>>) src(%dma_wait3A_71 : memref<624x128xf32, #tpu.memory_space<vmem_shared>>) dst(%dma_wait3A_69 : memref<624x128xf32, #tpu.memory_space<hbm>>)
      tpu.yield
    }) : () -> ()
    %eq3A_57 = arith.constant 0 : i32
    %eq3A_58 = arith.cmpi eq, %arg1, %eq3A_57 : i32
    %convert_element_type3A_59 = arith.extui %eq3A_58 : i1 to i32
    %cond3A_60 = arith.constant 0 : i32
    %cond3A_61 = arith.cmpi ne, %convert_element_type3A_59, %cond3A_60 : i32
    scf.if %cond3A_61 {
      "tpu.region"() ({
        %run_scoped3A = tpu.sem_alloc : memref<!tpu.dma_semaphore, #tpu.memory_space<semaphore_mem>>
        %dma_start3A_62 = arith.constant 9984 : i32
        %dma_start3A_63 = arith.constant 0 : i32
        %dma_start3A_64 = tpu.memref_slice %arg4[%arg0, %dma_start3A_62, %dma_start3A_63] : memref<2x10000x128xf32, #tpu.memory_space<hbm>> -> memref<1x16x128xf32, #tpu.memory_space<hbm>>
        %dma_start3A_65 = tpu.memref_squeeze %dma_start3A_64 : memref<1x16x128xf32, #tpu.memory_space<hbm>> -> memref<16x128xf32, #tpu.memory_space<hbm>>
        %dma_start3A_66 = arith.constant 9984 : i32
        %dma_start3A_67 = arith.constant 0 : i32
        %dma_start3A_68 = tpu.memref_slice %arg10[%dma_start3A_66, %dma_start3A_67] : memref<10000x128xf32, #tpu.memory_space<vmem_shared>> -> memref<16x128xf32, #tpu.memory_space<vmem_shared>>
        tpu.enqueue_dma source(%dma_start3A_68 : memref<16x128xf32, #tpu.memory_space<vmem_shared>>) target(%dma_start3A_65 : memref<16x128xf32, #tpu.memory_space<hbm>>) target_semaphore(%run_scoped3A : memref<!tpu.dma_semaphore, #tpu.memory_space<semaphore_mem>>)
        %dma_wait3A_69 = arith.constant 9984 : i32
        %dma_wait3A_70 = arith.constant 0 : i32
        %dma_wait3A_71 = tpu.memref_slice %arg4[%arg0, %dma_wait3A_69, %dma_wait3A_70] : memref<2x10000x128xf32, #tpu.memory_space<hbm>> -> memref<1x16x128xf32, #tpu.memory_space<hbm>>
        %dma_wait3A_72 = tpu.memref_squeeze %dma_wait3A_71 : memref<1x16x128xf32, #tpu.memory_space<hbm>> -> memref<16x128xf32, #tpu.memory_space<hbm>>
        %dma_wait3A_73 = arith.constant 9984 : i32
        %dma_wait3A_74 = arith.constant 0 : i32
        %dma_wait3A_75 = tpu.memref_slice %arg10[%dma_wait3A_73, %dma_wait3A_74] : memref<10000x128xf32, #tpu.memory_space<vmem_shared>> -> memref<16x128xf32, #tpu.memory_space<vmem_shared>>
        tpu.wait_dma2 semaphore(%run_scoped3A : memref<!tpu.dma_semaphore, #tpu.memory_space<semaphore_mem>>) src(%dma_wait3A_75 : memref<16x128xf32, #tpu.memory_space<vmem_shared>>) dst(%dma_wait3A_72 : memref<16x128xf32, #tpu.memory_space<hbm>>)
        tpu.yield
      }) : () -> ()
    } else {
    }
    return
  }
}

#map = affine_map<(d0, d1) -> (0, 0)>
#map1 = affine_map<(d0, d1) -> (0)>
#map2 = affine_map<(d0, d1) -> (0, 0, 0)>
module attributes {stable_mosaic.version = 14 : i64} {
  func.func @agg_kernel(%arg0: i32, %arg1: i32, %arg2: memref<10000x128xf32, #tpu.memory_space<hbm>>, %arg3: memref<640000xi32, #tpu.memory_space<hbm>>, %arg4: memref<2x10000x128xf32, #tpu.memory_space<hbm>>, %arg5: memref<10000xi32, #tpu.memory_space<vmem>>, %arg6: memref<10000xi32, #tpu.memory_space<vmem>>, %arg7: memref<80x128xf32, #tpu.memory_space<vmem>>, %arg8: memref<80x128xf32, #tpu.memory_space<vmem>>, %arg9: memref<80x128xf32, #tpu.memory_space<vmem>>, %arg10: memref<10000x128xf32, #tpu.memory_space<vmem_shared>>, %arg11: memref<!tpu.dma_semaphore, #tpu.memory_space<semaphore_mem>>, %arg12: memref<!tpu.dma_semaphore, #tpu.memory_space<semaphore_mem>>, %arg13: memref<!tpu.dma_semaphore, #tpu.memory_space<semaphore_mem>>, %arg14: memref<!tpu.dma_semaphore, #tpu.memory_space<semaphore_mem>>, %arg15: memref<!tpu.dma_semaphore, #tpu.memory_space<semaphore_mem>>) attributes {dimension_semantics = [#tpu.dimension_semantics<core_parallel>, #tpu.dimension_semantics<subcore_parallel>], iteration_bounds = array<i64: 2, 16>, scalar_prefetch = 0 : i64, scratch_operands = 11 : i64, tpu.core_type = #tpu.core_type<sc_vector_subcore>, window_params = [{transform_indices = #map}, {transform_indices = #map1}, {transform_indices = #map2}]} {
    %mul3A = arith.constant 2 : i32
    %mul3A_0 = arith.muli %arg1, %mul3A : i32
    %add3A = arith.addi %mul3A_0, %arg0 : i32
    %mul3A_1 = arith.constant 10000 : i32
    %mul3A_2 = arith.muli %add3A, %mul3A_1 : i32
    %mul3A_3 = arith.constant 624 : i32
    %mul3A_4 = arith.muli %arg1, %mul3A_3 : i32
    %mul3A_5 = arith.constant 624 : i32
    %mul3A_6 = arith.muli %arg1, %mul3A_5 : i32
    %dma_start3A = arith.constant 0 : i32
    %dma_start3A_7 = tpu.memref_slice %arg10[%mul3A_6, %dma_start3A] : memref<10000x128xf32, #tpu.memory_space<vmem_shared>> -> memref<624x128xf32, #tpu.memory_space<vmem_shared>>
    %dma_start3A_8 = arith.constant 0 : i32
    %dma_start3A_9 = tpu.memref_slice %arg2[%mul3A_4, %dma_start3A_8] : memref<10000x128xf32, #tpu.memory_space<hbm>> -> memref<624x128xf32, #tpu.memory_space<hbm>>
    tpu.enqueue_dma source(%dma_start3A_9 : memref<624x128xf32, #tpu.memory_space<hbm>>) target(%dma_start3A_7 : memref<624x128xf32, #tpu.memory_space<vmem_shared>>) target_semaphore(%arg15 : memref<!tpu.dma_semaphore, #tpu.memory_space<semaphore_mem>>)
    %dma_start3A_10 = tpu.memref_slice %arg3[%mul3A_2] : memref<640000xi32, #tpu.memory_space<hbm>> -> memref<10000xi32, #tpu.memory_space<hbm>>
    %dma_start3A_11 = tpu.memref_slice %arg3[%mul3A_2] : memref<640000xi32, #tpu.memory_space<hbm>> -> memref<10000xi32, #tpu.memory_space<hbm>>
    tpu.enqueue_dma source(%dma_start3A_11 : memref<10000xi32, #tpu.memory_space<hbm>>) target(%arg5 : memref<10000xi32, #tpu.memory_space<vmem>>) target_semaphore(%arg12 : memref<!tpu.dma_semaphore, #tpu.memory_space<semaphore_mem>>)
    %add3A_12 = arith.constant 320000 : i32
    %add3A_13 = arith.addi %add3A_12, %mul3A_2 : i32
    %dma_start3A_14 = tpu.memref_slice %arg3[%add3A_13] : memref<640000xi32, #tpu.memory_space<hbm>> -> memref<10000xi32, #tpu.memory_space<hbm>>
    %dma_start3A_15 = tpu.memref_slice %arg3[%add3A_13] : memref<640000xi32, #tpu.memory_space<hbm>> -> memref<10000xi32, #tpu.memory_space<hbm>>
    tpu.enqueue_dma source(%dma_start3A_15 : memref<10000xi32, #tpu.memory_space<hbm>>) target(%arg6 : memref<10000xi32, #tpu.memory_space<vmem>>) target_semaphore(%arg14 : memref<!tpu.dma_semaphore, #tpu.memory_space<semaphore_mem>>)
    %eq3A = arith.constant 0 : i32
    %eq3A_16 = arith.cmpi eq, %arg1, %eq3A : i32
    %convert_element_type3A = arith.extui %eq3A_16 : i1 to i32
    %cond3A = arith.constant 0 : i32
    %cond3A_17 = arith.cmpi ne, %convert_element_type3A, %cond3A : i32
    scf.if %cond3A_17 {
      %dma_start3A_62 = arith.constant 9984 : i32
      %dma_start3A_63 = arith.constant 0 : i32
      %dma_start3A_64 = tpu.memref_slice %arg10[%dma_start3A_62, %dma_start3A_63] : memref<10000x128xf32, #tpu.memory_space<vmem_shared>> -> memref<16x128xf32, #tpu.memory_space<vmem_shared>>
      %dma_start3A_65 = arith.constant 9984 : i32
      %dma_start3A_66 = arith.constant 0 : i32
      %dma_start3A_67 = tpu.memref_slice %arg2[%dma_start3A_65, %dma_start3A_66] : memref<10000x128xf32, #tpu.memory_space<hbm>> -> memref<16x128xf32, #tpu.memory_space<hbm>>
      tpu.enqueue_dma source(%dma_start3A_67 : memref<16x128xf32, #tpu.memory_space<hbm>>) target(%dma_start3A_64 : memref<16x128xf32, #tpu.memory_space<vmem_shared>>) target_semaphore(%arg13 : memref<!tpu.dma_semaphore, #tpu.memory_space<semaphore_mem>>)
      %dma_wait3A_68 = arith.constant 9984 : i32
      %dma_wait3A_69 = arith.constant 0 : i32
      %dma_wait3A_70 = tpu.memref_slice %arg10[%dma_wait3A_68, %dma_wait3A_69] : memref<10000x128xf32, #tpu.memory_space<vmem_shared>> -> memref<16x128xf32, #tpu.memory_space<vmem_shared>>
      %dma_wait3A_71 = arith.constant 9984 : i32
      %dma_wait3A_72 = arith.constant 0 : i32
      %dma_wait3A_73 = tpu.memref_slice %arg2[%dma_wait3A_71, %dma_wait3A_72] : memref<10000x128xf32, #tpu.memory_space<hbm>> -> memref<16x128xf32, #tpu.memory_space<hbm>>
      tpu.wait_dma2 semaphore(%arg13 : memref<!tpu.dma_semaphore, #tpu.memory_space<semaphore_mem>>) src(%dma_wait3A_73 : memref<16x128xf32, #tpu.memory_space<hbm>>) dst(%dma_wait3A_70 : memref<16x128xf32, #tpu.memory_space<vmem_shared>>)
    } else {
    }
    %dma_wait3A = tpu.memref_slice %arg3[%mul3A_2] : memref<640000xi32, #tpu.memory_space<hbm>> -> memref<10000xi32, #tpu.memory_space<hbm>>
    %dma_wait3A_18 = tpu.memref_slice %arg3[%mul3A_2] : memref<640000xi32, #tpu.memory_space<hbm>> -> memref<10000xi32, #tpu.memory_space<hbm>>
    tpu.wait_dma2 semaphore(%arg12 : memref<!tpu.dma_semaphore, #tpu.memory_space<semaphore_mem>>) src(%dma_wait3A_18 : memref<10000xi32, #tpu.memory_space<hbm>>) dst(%arg5 : memref<10000xi32, #tpu.memory_space<vmem>>)
    %dma_start3A_19 = arith.constant 0 : i32
    %dma_start3A_20 = tpu.memref_slice %arg5[%dma_start3A_19] : memref<10000xi32, #tpu.memory_space<vmem>> -> memref<80xi32, #tpu.memory_space<vmem>>
    %dma_start3A_21 = arith.constant 0 : i32
    %dma_start3A_22 = arith.constant 0 : i32
    %dma_start3A_23 = tpu.memref_slice %arg2[%dma_start3A_21, %dma_start3A_22] : memref<10000x128xf32, #tpu.memory_space<hbm>> -> memref<10000x128xf32, #tpu.memory_space<hbm>>
    tpu.enqueue_indirect_dma source(%dma_start3A_23 : memref<10000x128xf32, #tpu.memory_space<hbm>>) target(%arg7 : memref<80x128xf32, #tpu.memory_space<vmem>>) offsets(%dma_start3A_20 : memref<80xi32, #tpu.memory_space<vmem>>) semaphore(%arg11 : memref<!tpu.dma_semaphore, #tpu.memory_space<semaphore_mem>>)
    %dma_start3A_24 = arith.constant 80 : i32
    %dma_start3A_25 = tpu.memref_slice %arg5[%dma_start3A_24] : memref<10000xi32, #tpu.memory_space<vmem>> -> memref<80xi32, #tpu.memory_space<vmem>>
    %dma_start3A_26 = arith.constant 0 : i32
    %dma_start3A_27 = arith.constant 0 : i32
    %dma_start3A_28 = tpu.memref_slice %arg2[%dma_start3A_26, %dma_start3A_27] : memref<10000x128xf32, #tpu.memory_space<hbm>> -> memref<10000x128xf32, #tpu.memory_space<hbm>>
    tpu.enqueue_indirect_dma source(%dma_start3A_28 : memref<10000x128xf32, #tpu.memory_space<hbm>>) target(%arg8 : memref<80x128xf32, #tpu.memory_space<vmem>>) offsets(%dma_start3A_25 : memref<80xi32, #tpu.memory_space<vmem>>) semaphore(%arg12 : memref<!tpu.dma_semaphore, #tpu.memory_space<semaphore_mem>>)
    %dma_wait3A_29 = arith.constant 0 : i32
    %dma_wait3A_30 = tpu.memref_slice %arg10[%mul3A_6, %dma_wait3A_29] : memref<10000x128xf32, #tpu.memory_space<vmem_shared>> -> memref<624x128xf32, #tpu.memory_space<vmem_shared>>
    %dma_wait3A_31 = arith.constant 0 : i32
    %dma_wait3A_32 = tpu.memref_slice %arg2[%mul3A_4, %dma_wait3A_31] : memref<10000x128xf32, #tpu.memory_space<hbm>> -> memref<624x128xf32, #tpu.memory_space<hbm>>
    tpu.wait_dma2 semaphore(%arg15 : memref<!tpu.dma_semaphore, #tpu.memory_space<semaphore_mem>>) src(%dma_wait3A_32 : memref<624x128xf32, #tpu.memory_space<hbm>>) dst(%dma_wait3A_30 : memref<624x128xf32, #tpu.memory_space<vmem_shared>>)
    %dma_wait3A_33 = tpu.memref_slice %arg3[%add3A_13] : memref<640000xi32, #tpu.memory_space<hbm>> -> memref<10000xi32, #tpu.memory_space<hbm>>
    %dma_wait3A_34 = tpu.memref_slice %arg3[%add3A_13] : memref<640000xi32, #tpu.memory_space<hbm>> -> memref<10000xi32, #tpu.memory_space<hbm>>
    tpu.wait_dma2 semaphore(%arg14 : memref<!tpu.dma_semaphore, #tpu.memory_space<semaphore_mem>>) src(%dma_wait3A_34 : memref<10000xi32, #tpu.memory_space<hbm>>) dst(%arg6 : memref<10000xi32, #tpu.memory_space<vmem>>)
    %barrier3A = arith.constant 0 : index
    tpu.barrier barrier_id(%barrier3A)
    %scan3A = arith.constant 0 : i32
    %scan3A_35 = arith.constant 0 : i32
    %scan3A_36 = arith.constant 41 : i32
    %scan3A_37 = arith.addi %scan3A_35, %scan3A_36 : i32
    %scan3A_38 = arith.constant 1 : i32
    scf.for %scan3A_62 = %scan3A_35 to %scan3A_37 step %scan3A_38  : i32 {
      %mul3A_63 = arith.constant 3 : i32
      %mul3A_64 = arith.muli %mul3A_63, %scan3A_62 : i32
      %add3A_65 = arith.constant 2 : i32
      %add3A_66 = arith.addi %mul3A_64, %add3A_65 : i32
      %mul3A_67 = arith.constant 80 : i32
      %mul3A_68 = arith.muli %add3A_66, %mul3A_67 : i32
      %dma_start3A_69 = tpu.memref_slice %arg5[%mul3A_68] : memref<10000xi32, #tpu.memory_space<vmem>> -> memref<80xi32, #tpu.memory_space<vmem>>
      %dma_start3A_70 = arith.constant 0 : i32
      %dma_start3A_71 = arith.constant 0 : i32
      %dma_start3A_72 = tpu.memref_slice %arg2[%dma_start3A_70, %dma_start3A_71] : memref<10000x128xf32, #tpu.memory_space<hbm>> -> memref<10000x128xf32, #tpu.memory_space<hbm>>
      tpu.enqueue_indirect_dma source(%dma_start3A_72 : memref<10000x128xf32, #tpu.memory_space<hbm>>) target(%arg9 : memref<80x128xf32, #tpu.memory_space<vmem>>) offsets(%dma_start3A_69 : memref<80xi32, #tpu.memory_space<vmem>>) semaphore(%arg13 : memref<!tpu.dma_semaphore, #tpu.memory_space<semaphore_mem>>)
      %dma_wait3A_73 = arith.constant 0 : i32
      %dma_wait3A_74 = arith.constant 0 : i32
      %dma_wait3A_75 = tpu.memref_slice %arg2[%dma_wait3A_73, %dma_wait3A_74] : memref<10000x128xf32, #tpu.memory_space<hbm>> -> memref<80x128xf32, #tpu.memory_space<hbm>>
      %dma_wait3A_76 = arith.constant 0 : i32
      %dma_wait3A_77 = arith.constant 0 : i32
      %dma_wait3A_78 = tpu.memref_slice %arg2[%dma_wait3A_76, %dma_wait3A_77] : memref<10000x128xf32, #tpu.memory_space<hbm>> -> memref<80x128xf32, #tpu.memory_space<hbm>>
      tpu.wait_dma2 semaphore(%arg11 : memref<!tpu.dma_semaphore, #tpu.memory_space<semaphore_mem>>) src(%dma_wait3A_78 : memref<80x128xf32, #tpu.memory_space<hbm>>) dst(%arg7 : memref<80x128xf32, #tpu.memory_space<vmem>>)
      %mul3A_79 = arith.constant 80 : i32
      %mul3A_80 = arith.muli %mul3A_64, %mul3A_79 : i32
      "tpu.region"() ({
        %run_scoped3A = tpu.sem_alloc : memref<!tpu.dma_semaphore, #tpu.memory_space<semaphore_mem>>
        %dma_start3A_117 = tpu.memref_slice %arg6[%mul3A_80] : memref<10000xi32, #tpu.memory_space<vmem>> -> memref<80xi32, #tpu.memory_space<vmem>>
        %dma_start3A_118 = arith.constant 0 : i32
        %dma_start3A_119 = arith.constant 0 : i32
        %dma_start3A_120 = tpu.memref_slice %arg10[%dma_start3A_118, %dma_start3A_119] : memref<10000x128xf32, #tpu.memory_space<vmem_shared>> -> memref<10000x128xf32, #tpu.memory_space<vmem_shared>>
        tpu.enqueue_indirect_dma source(%arg7 : memref<80x128xf32, #tpu.memory_space<vmem>>) target(%dma_start3A_120 : memref<10000x128xf32, #tpu.memory_space<vmem_shared>>) offsets(%dma_start3A_117 : memref<80xi32, #tpu.memory_space<vmem>>) semaphore(%run_scoped3A : memref<!tpu.dma_semaphore, #tpu.memory_space<semaphore_mem>>) {add = true}
        %dma_wait3A_121 = tpu.memref_slice %arg6[%mul3A_80] : memref<10000xi32, #tpu.memory_space<vmem>> -> memref<80xi32, #tpu.memory_space<vmem>>
        %dma_wait3A_122 = arith.constant 0 : i32
        %dma_wait3A_123 = arith.constant 0 : i32
        %dma_wait3A_124 = tpu.memref_slice %arg10[%dma_wait3A_122, %dma_wait3A_123] : memref<10000x128xf32, #tpu.memory_space<vmem_shared>> -> memref<10000x128xf32, #tpu.memory_space<vmem_shared>>
        tpu.wait_indirect_dma semaphore(%run_scoped3A : memref<!tpu.dma_semaphore, #tpu.memory_space<semaphore_mem>>) src(%arg7 : memref<80x128xf32, #tpu.memory_space<vmem>>) dst(%dma_wait3A_124 : memref<10000x128xf32, #tpu.memory_space<vmem_shared>>)
        tpu.yield
      }) : () -> ()
      %add3A_81 = arith.constant 3 : i32
      %add3A_82 = arith.addi %mul3A_64, %add3A_81 : i32
      %mul3A_83 = arith.constant 80 : i32
      %mul3A_84 = arith.muli %add3A_82, %mul3A_83 : i32
      %dma_start3A_85 = tpu.memref_slice %arg5[%mul3A_84] : memref<10000xi32, #tpu.memory_space<vmem>> -> memref<80xi32, #tpu.memory_space<vmem>>
      %dma_start3A_86 = arith.constant 0 : i32
      %dma_start3A_87 = arith.constant 0 : i32
      %dma_start3A_88 = tpu.memref_slice %arg2[%dma_start3A_86, %dma_start3A_87] : memref<10000x128xf32, #tpu.memory_space<hbm>> -> memref<10000x128xf32, #tpu.memory_space<hbm>>
      tpu.enqueue_indirect_dma source(%dma_start3A_88 : memref<10000x128xf32, #tpu.memory_space<hbm>>) target(%arg7 : memref<80x128xf32, #tpu.memory_space<vmem>>) offsets(%dma_start3A_85 : memref<80xi32, #tpu.memory_space<vmem>>) semaphore(%arg11 : memref<!tpu.dma_semaphore, #tpu.memory_space<semaphore_mem>>)
      %add3A_89 = arith.constant 1 : i32
      %add3A_90 = arith.addi %mul3A_64, %add3A_89 : i32
      %dma_wait3A_91 = arith.constant 0 : i32
      %dma_wait3A_92 = arith.constant 0 : i32
      %dma_wait3A_93 = tpu.memref_slice %arg2[%dma_wait3A_91, %dma_wait3A_92] : memref<10000x128xf32, #tpu.memory_space<hbm>> -> memref<80x128xf32, #tpu.memory_space<hbm>>
      %dma_wait3A_94 = arith.constant 0 : i32
      %dma_wait3A_95 = arith.constant 0 : i32
      %dma_wait3A_96 = tpu.memref_slice %arg2[%dma_wait3A_94, %dma_wait3A_95] : memref<10000x128xf32, #tpu.memory_space<hbm>> -> memref<80x128xf32, #tpu.memory_space<hbm>>
      tpu.wait_dma2 semaphore(%arg12 : memref<!tpu.dma_semaphore, #tpu.memory_space<semaphore_mem>>) src(%dma_wait3A_96 : memref<80x128xf32, #tpu.memory_space<hbm>>) dst(%arg8 : memref<80x128xf32, #tpu.memory_space<vmem>>)
      %mul3A_97 = arith.constant 80 : i32
      %mul3A_98 = arith.muli %add3A_90, %mul3A_97 : i32
      "tpu.region"() ({
        %run_scoped3A = tpu.sem_alloc : memref<!tpu.dma_semaphore, #tpu.memory_space<semaphore_mem>>
        %dma_start3A_117 = tpu.memref_slice %arg6[%mul3A_98] : memref<10000xi32, #tpu.memory_space<vmem>> -> memref<80xi32, #tpu.memory_space<vmem>>
        %dma_start3A_118 = arith.constant 0 : i32
        %dma_start3A_119 = arith.constant 0 : i32
        %dma_start3A_120 = tpu.memref_slice %arg10[%dma_start3A_118, %dma_start3A_119] : memref<10000x128xf32, #tpu.memory_space<vmem_shared>> -> memref<10000x128xf32, #tpu.memory_space<vmem_shared>>
        tpu.enqueue_indirect_dma source(%arg8 : memref<80x128xf32, #tpu.memory_space<vmem>>) target(%dma_start3A_120 : memref<10000x128xf32, #tpu.memory_space<vmem_shared>>) offsets(%dma_start3A_117 : memref<80xi32, #tpu.memory_space<vmem>>) semaphore(%run_scoped3A : memref<!tpu.dma_semaphore, #tpu.memory_space<semaphore_mem>>) {add = true}
        %dma_wait3A_121 = tpu.memref_slice %arg6[%mul3A_98] : memref<10000xi32, #tpu.memory_space<vmem>> -> memref<80xi32, #tpu.memory_space<vmem>>
        %dma_wait3A_122 = arith.constant 0 : i32
        %dma_wait3A_123 = arith.constant 0 : i32
        %dma_wait3A_124 = tpu.memref_slice %arg10[%dma_wait3A_122, %dma_wait3A_123] : memref<10000x128xf32, #tpu.memory_space<vmem_shared>> -> memref<10000x128xf32, #tpu.memory_space<vmem_shared>>
        tpu.wait_indirect_dma semaphore(%run_scoped3A : memref<!tpu.dma_semaphore, #tpu.memory_space<semaphore_mem>>) src(%arg8 : memref<80x128xf32, #tpu.memory_space<vmem>>) dst(%dma_wait3A_124 : memref<10000x128xf32, #tpu.memory_space<vmem_shared>>)
        tpu.yield
      }) : () -> ()
      %add3A_99 = arith.constant 4 : i32
      %add3A_100 = arith.addi %mul3A_64, %add3A_99 : i32
      %mul3A_101 = arith.constant 80 : i32
      %mul3A_102 = arith.muli %add3A_100, %mul3A_101 : i32
      %dma_start3A_103 = tpu.memref_slice %arg5[%mul3A_102] : memref<10000xi32, #tpu.memory_space<vmem>> -> memref<80xi32, #tpu.memory_space<vmem>>
      %dma_start3A_104 = arith.constant 0 : i32
      %dma_start3A_105 = arith.constant 0 : i32
      %dma_start3A_106 = tpu.memref_slice %arg2[%dma_start3A_104, %dma_start3A_105] : memref<10000x128xf32, #tpu.memory_space<hbm>> -> memref<10000x128xf32, #tpu.memory_space<hbm>>
      tpu.enqueue_indirect_dma source(%dma_start3A_106 : memref<10000x128xf32, #tpu.memory_space<hbm>>) target(%arg8 : memref<80x128xf32, #tpu.memory_space<vmem>>) offsets(%dma_start3A_103 : memref<80xi32, #tpu.memory_space<vmem>>) semaphore(%arg12 : memref<!tpu.dma_semaphore, #tpu.memory_space<semaphore_mem>>)
      %add3A_107 = arith.constant 2 : i32
      %add3A_108 = arith.addi %mul3A_64, %add3A_107 : i32
      %dma_wait3A_109 = arith.constant 0 : i32
      %dma_wait3A_110 = arith.constant 0 : i32
      %dma_wait3A_111 = tpu.memref_slice %arg2[%dma_wait3A_109, %dma_wait3A_110] : memref<10000x128xf32, #tpu.memory_space<hbm>> -> memref<80x128xf32, #tpu.memory_space<hbm>>
      %dma_wait3A_112 = arith.constant 0 : i32
      %dma_wait3A_113 = arith.constant 0 : i32
      %dma_wait3A_114 = tpu.memref_slice %arg2[%dma_wait3A_112, %dma_wait3A_113] : memref<10000x128xf32, #tpu.memory_space<hbm>> -> memref<80x128xf32, #tpu.memory_space<hbm>>
      tpu.wait_dma2 semaphore(%arg13 : memref<!tpu.dma_semaphore, #tpu.memory_space<semaphore_mem>>) src(%dma_wait3A_114 : memref<80x128xf32, #tpu.memory_space<hbm>>) dst(%arg9 : memref<80x128xf32, #tpu.memory_space<vmem>>)
      %mul3A_115 = arith.constant 80 : i32
      %mul3A_116 = arith.muli %add3A_108, %mul3A_115 : i32
      "tpu.region"() ({
        %run_scoped3A = tpu.sem_alloc : memref<!tpu.dma_semaphore, #tpu.memory_space<semaphore_mem>>
        %dma_start3A_117 = tpu.memref_slice %arg6[%mul3A_116] : memref<10000xi32, #tpu.memory_space<vmem>> -> memref<80xi32, #tpu.memory_space<vmem>>
        %dma_start3A_118 = arith.constant 0 : i32
        %dma_start3A_119 = arith.constant 0 : i32
        %dma_start3A_120 = tpu.memref_slice %arg10[%dma_start3A_118, %dma_start3A_119] : memref<10000x128xf32, #tpu.memory_space<vmem_shared>> -> memref<10000x128xf32, #tpu.memory_space<vmem_shared>>
        tpu.enqueue_indirect_dma source(%arg9 : memref<80x128xf32, #tpu.memory_space<vmem>>) target(%dma_start3A_120 : memref<10000x128xf32, #tpu.memory_space<vmem_shared>>) offsets(%dma_start3A_117 : memref<80xi32, #tpu.memory_space<vmem>>) semaphore(%run_scoped3A : memref<!tpu.dma_semaphore, #tpu.memory_space<semaphore_mem>>) {add = true}
        %dma_wait3A_121 = tpu.memref_slice %arg6[%mul3A_116] : memref<10000xi32, #tpu.memory_space<vmem>> -> memref<80xi32, #tpu.memory_space<vmem>>
        %dma_wait3A_122 = arith.constant 0 : i32
        %dma_wait3A_123 = arith.constant 0 : i32
        %dma_wait3A_124 = tpu.memref_slice %arg10[%dma_wait3A_122, %dma_wait3A_123] : memref<10000x128xf32, #tpu.memory_space<vmem_shared>> -> memref<10000x128xf32, #tpu.memory_space<vmem_shared>>
        tpu.wait_indirect_dma semaphore(%run_scoped3A : memref<!tpu.dma_semaphore, #tpu.memory_space<semaphore_mem>>) src(%arg9 : memref<80x128xf32, #tpu.memory_space<vmem>>) dst(%dma_wait3A_124 : memref<10000x128xf32, #tpu.memory_space<vmem_shared>>)
        tpu.yield
      }) : () -> ()
    }
    %scan3A_39 = arith.constant 41 : i32
    %dma_wait3A_40 = arith.constant 0 : i32
    %dma_wait3A_41 = arith.constant 0 : i32
    %dma_wait3A_42 = tpu.memref_slice %arg2[%dma_wait3A_40, %dma_wait3A_41] : memref<10000x128xf32, #tpu.memory_space<hbm>> -> memref<80x128xf32, #tpu.memory_space<hbm>>
    %dma_wait3A_43 = arith.constant 0 : i32
    %dma_wait3A_44 = arith.constant 0 : i32
    %dma_wait3A_45 = tpu.memref_slice %arg2[%dma_wait3A_43, %dma_wait3A_44] : memref<10000x128xf32, #tpu.memory_space<hbm>> -> memref<80x128xf32, #tpu.memory_space<hbm>>
    tpu.wait_dma2 semaphore(%arg11 : memref<!tpu.dma_semaphore, #tpu.memory_space<semaphore_mem>>) src(%dma_wait3A_45 : memref<80x128xf32, #tpu.memory_space<hbm>>) dst(%arg7 : memref<80x128xf32, #tpu.memory_space<vmem>>)
    "tpu.region"() ({
      %run_scoped3A = tpu.sem_alloc : memref<!tpu.dma_semaphore, #tpu.memory_space<semaphore_mem>>
      %dma_start3A_62 = arith.constant 9840 : i32
      %dma_start3A_63 = tpu.memref_slice %arg6[%dma_start3A_62] : memref<10000xi32, #tpu.memory_space<vmem>> -> memref<80xi32, #tpu.memory_space<vmem>>
      %dma_start3A_64 = arith.constant 0 : i32
      %dma_start3A_65 = arith.constant 0 : i32
      %dma_start3A_66 = tpu.memref_slice %arg10[%dma_start3A_64, %dma_start3A_65] : memref<10000x128xf32, #tpu.memory_space<vmem_shared>> -> memref<10000x128xf32, #tpu.memory_space<vmem_shared>>
      tpu.enqueue_indirect_dma source(%arg7 : memref<80x128xf32, #tpu.memory_space<vmem>>) target(%dma_start3A_66 : memref<10000x128xf32, #tpu.memory_space<vmem_shared>>) offsets(%dma_start3A_63 : memref<80xi32, #tpu.memory_space<vmem>>) semaphore(%run_scoped3A : memref<!tpu.dma_semaphore, #tpu.memory_space<semaphore_mem>>) {add = true}
      %dma_wait3A_67 = arith.constant 9840 : i32
      %dma_wait3A_68 = tpu.memref_slice %arg6[%dma_wait3A_67] : memref<10000xi32, #tpu.memory_space<vmem>> -> memref<80xi32, #tpu.memory_space<vmem>>
      %dma_wait3A_69 = arith.constant 0 : i32
      %dma_wait3A_70 = arith.constant 0 : i32
      %dma_wait3A_71 = tpu.memref_slice %arg10[%dma_wait3A_69, %dma_wait3A_70] : memref<10000x128xf32, #tpu.memory_space<vmem_shared>> -> memref<10000x128xf32, #tpu.memory_space<vmem_shared>>
      tpu.wait_indirect_dma semaphore(%run_scoped3A : memref<!tpu.dma_semaphore, #tpu.memory_space<semaphore_mem>>) src(%arg7 : memref<80x128xf32, #tpu.memory_space<vmem>>) dst(%dma_wait3A_71 : memref<10000x128xf32, #tpu.memory_space<vmem_shared>>)
      tpu.yield
    }) : () -> ()
    %dma_wait3A_46 = arith.constant 0 : i32
    %dma_wait3A_47 = arith.constant 0 : i32
    %dma_wait3A_48 = tpu.memref_slice %arg2[%dma_wait3A_46, %dma_wait3A_47] : memref<10000x128xf32, #tpu.memory_space<hbm>> -> memref<80x128xf32, #tpu.memory_space<hbm>>
    %dma_wait3A_49 = arith.constant 0 : i32
    %dma_wait3A_50 = arith.constant 0 : i32
    %dma_wait3A_51 = tpu.memref_slice %arg2[%dma_wait3A_49, %dma_wait3A_50] : memref<10000x128xf32, #tpu.memory_space<hbm>> -> memref<80x128xf32, #tpu.memory_space<hbm>>
    tpu.wait_dma2 semaphore(%arg12 : memref<!tpu.dma_semaphore, #tpu.memory_space<semaphore_mem>>) src(%dma_wait3A_51 : memref<80x128xf32, #tpu.memory_space<hbm>>) dst(%arg8 : memref<80x128xf32, #tpu.memory_space<vmem>>)
    "tpu.region"() ({
      %run_scoped3A = tpu.sem_alloc : memref<!tpu.dma_semaphore, #tpu.memory_space<semaphore_mem>>
      %dma_start3A_62 = arith.constant 9920 : i32
      %dma_start3A_63 = tpu.memref_slice %arg6[%dma_start3A_62] : memref<10000xi32, #tpu.memory_space<vmem>> -> memref<80xi32, #tpu.memory_space<vmem>>
      %dma_start3A_64 = arith.constant 0 : i32
      %dma_start3A_65 = arith.constant 0 : i32
      %dma_start3A_66 = tpu.memref_slice %arg10[%dma_start3A_64, %dma_start3A_65] : memref<10000x128xf32, #tpu.memory_space<vmem_shared>> -> memref<10000x128xf32, #tpu.memory_space<vmem_shared>>
      tpu.enqueue_indirect_dma source(%arg8 : memref<80x128xf32, #tpu.memory_space<vmem>>) target(%dma_start3A_66 : memref<10000x128xf32, #tpu.memory_space<vmem_shared>>) offsets(%dma_start3A_63 : memref<80xi32, #tpu.memory_space<vmem>>) semaphore(%run_scoped3A : memref<!tpu.dma_semaphore, #tpu.memory_space<semaphore_mem>>) {add = true}
      %dma_wait3A_67 = arith.constant 9920 : i32
      %dma_wait3A_68 = tpu.memref_slice %arg6[%dma_wait3A_67] : memref<10000xi32, #tpu.memory_space<vmem>> -> memref<80xi32, #tpu.memory_space<vmem>>
      %dma_wait3A_69 = arith.constant 0 : i32
      %dma_wait3A_70 = arith.constant 0 : i32
      %dma_wait3A_71 = tpu.memref_slice %arg10[%dma_wait3A_69, %dma_wait3A_70] : memref<10000x128xf32, #tpu.memory_space<vmem_shared>> -> memref<10000x128xf32, #tpu.memory_space<vmem_shared>>
      tpu.wait_indirect_dma semaphore(%run_scoped3A : memref<!tpu.dma_semaphore, #tpu.memory_space<semaphore_mem>>) src(%arg8 : memref<80x128xf32, #tpu.memory_space<vmem>>) dst(%dma_wait3A_71 : memref<10000x128xf32, #tpu.memory_space<vmem_shared>>)
      tpu.yield
    }) : () -> ()
    %barrier3A_52 = arith.constant 0 : index
    tpu.barrier barrier_id(%barrier3A_52)
    %mul3A_53 = arith.constant 624 : i32
    %mul3A_54 = arith.muli %arg1, %mul3A_53 : i32
    %mul3A_55 = arith.constant 624 : i32
    %mul3A_56 = arith.muli %arg1, %mul3A_55 : i32
    "tpu.region"() ({
      %run_scoped3A = tpu.sem_alloc : memref<!tpu.dma_semaphore, #tpu.memory_space<semaphore_mem>>
      %dma_start3A_62 = arith.constant 0 : i32
      %dma_start3A_63 = tpu.memref_slice %arg4[%arg0, %mul3A_56, %dma_start3A_62] : memref<2x10000x128xf32, #tpu.memory_space<hbm>> -> memref<1x624x128xf32, #tpu.memory_space<hbm>>
      %dma_start3A_64 = tpu.memref_squeeze %dma_start3A_63 : memref<1x624x128xf32, #tpu.memory_space<hbm>> -> memref<624x128xf32, #tpu.memory_space<hbm>>
      %dma_start3A_65 = arith.constant 0 : i32
      %dma_start3A_66 = tpu.memref_slice %arg10[%mul3A_54, %dma_start3A_65] : memref<10000x128xf32, #tpu.memory_space<vmem_shared>> -> memref<624x128xf32, #tpu.memory_space<vmem_shared>>
      tpu.enqueue_dma source(%dma_start3A_66 : memref<624x128xf32, #tpu.memory_space<vmem_shared>>) target(%dma_start3A_64 : memref<624x128xf32, #tpu.memory_space<hbm>>) target_semaphore(%run_scoped3A : memref<!tpu.dma_semaphore, #tpu.memory_space<semaphore_mem>>)
      %dma_wait3A_67 = arith.constant 0 : i32
      %dma_wait3A_68 = tpu.memref_slice %arg4[%arg0, %mul3A_56, %dma_wait3A_67] : memref<2x10000x128xf32, #tpu.memory_space<hbm>> -> memref<1x624x128xf32, #tpu.memory_space<hbm>>
      %dma_wait3A_69 = tpu.memref_squeeze %dma_wait3A_68 : memref<1x624x128xf32, #tpu.memory_space<hbm>> -> memref<624x128xf32, #tpu.memory_space<hbm>>
      %dma_wait3A_70 = arith.constant 0 : i32
      %dma_wait3A_71 = tpu.memref_slice %arg10[%mul3A_54, %dma_wait3A_70] : memref<10000x128xf32, #tpu.memory_space<vmem_shared>> -> memref<624x128xf32, #tpu.memory_space<vmem_shared>>
      tpu.wait_dma2 semaphore(%run_scoped3A : memref<!tpu.dma_semaphore, #tpu.memory_space<semaphore_mem>>) src(%dma_wait3A_71 : memref<624x128xf32, #tpu.memory_space<vmem_shared>>) dst(%dma_wait3A_69 : memref<624x128xf32, #tpu.memory_space<hbm>>)
      tpu.yield
    }) : () -> ()
    %eq3A_57 = arith.constant 0 : i32
    %eq3A_58 = arith.cmpi eq, %arg1, %eq3A_57 : i32
    %convert_element_type3A_59 = arith.extui %eq3A_58 : i1 to i32
    %cond3A_60 = arith.constant 0 : i32
    %cond3A_61 = arith.cmpi ne, %convert_element_type3A_59, %cond3A_60 : i32
    scf.if %cond3A_61 {
      "tpu.region"() ({
        %run_scoped3A = tpu.sem_alloc : memref<!tpu.dma_semaphore, #tpu.memory_space<semaphore_mem>>
        %dma_start3A_62 = arith.constant 9984 : i32
        %dma_start3A_63 = arith.constant 0 : i32
        %dma_start3A_64 = tpu.memref_slice %arg4[%arg0, %dma_start3A_62, %dma_start3A_63] : memref<2x10000x128xf32, #tpu.memory_space<hbm>> -> memref<1x16x128xf32, #tpu.memory_space<hbm>>
        %dma_start3A_65 = tpu.memref_squeeze %dma_start3A_64 : memref<1x16x128xf32, #tpu.memory_space<hbm>> -> memref<16x128xf32, #tpu.memory_space<hbm>>
        %dma_start3A_66 = arith.constant 9984 : i32
        %dma_start3A_67 = arith.constant 0 : i32
        %dma_start3A_68 = tpu.memref_slice %arg10[%dma_start3A_66, %dma_start3A_67] : memref<10000x128xf32, #tpu.memory_space<vmem_shared>> -> memref<16x128xf32, #tpu.memory_space<vmem_shared>>
        tpu.enqueue_dma source(%dma_start3A_68 : memref<16x128xf32, #tpu.memory_space<vmem_shared>>) target(%dma_start3A_65 : memref<16x128xf32, #tpu.memory_space<hbm>>) target_semaphore(%run_scoped3A : memref<!tpu.dma_semaphore, #tpu.memory_space<semaphore_mem>>)
        %dma_wait3A_69 = arith.constant 9984 : i32
        %dma_wait3A_70 = arith.constant 0 : i32
        %dma_wait3A_71 = tpu.memref_slice %arg4[%arg0, %dma_wait3A_69, %dma_wait3A_70] : memref<2x10000x128xf32, #tpu.memory_space<hbm>> -> memref<1x16x128xf32, #tpu.memory_space<hbm>>
        %dma_wait3A_72 = tpu.memref_squeeze %dma_wait3A_71 : memref<1x16x128xf32, #tpu.memory_space<hbm>> -> memref<16x128xf32, #tpu.memory_space<hbm>>
        %dma_wait3A_73 = arith.constant 9984 : i32
        %dma_wait3A_74 = arith.constant 0 : i32
        %dma_wait3A_75 = tpu.memref_slice %arg10[%dma_wait3A_73, %dma_wait3A_74] : memref<10000x128xf32, #tpu.memory_space<vmem_shared>> -> memref<16x128xf32, #tpu.memory_space<vmem_shared>>
        tpu.wait_dma2 semaphore(%run_scoped3A : memref<!tpu.dma_semaphore, #tpu.memory_space<semaphore_mem>>) src(%dma_wait3A_75 : memref<16x128xf32, #tpu.memory_space<vmem_shared>>) dst(%dma_wait3A_72 : memref<16x128xf32, #tpu.memory_space<hbm>>)
        tpu.yield
      }) : () -> ()
    } else {
    }
    return
  }
}

module attributes {stable_mosaic.version = 14 : i64} {
  func.func @body(%arg0: i32, %arg1: memref<2000x128xf32, #tpu.memory_space<vmem>>, %arg2: memref<2x2000x128xf32, #tpu.memory_space<vmem>>, %arg3: memref<128x128xf32, #tpu.memory_space<vmem>>, %arg4: memref<1x128xf32, #tpu.memory_space<vmem>>, %arg5: memref<2000x128xf32, #tpu.memory_space<vmem>>) attributes {dimension_semantics = [#tpu.dimension_semantics<arbitrary>], iteration_bounds = array<i64: 5>, scalar_prefetch = 0 : i64, scratch_operands = 0 : i64, tpu.core_type = #tpu.core_type<tc>, window_params = [{transform_indices = @transform_0, window_bounds = array<i64: 2000, 128>}, {transform_indices = @transform_1, window_bounds = array<i64: 2, 2000, 128>}, {pipeline_mode = #tpu.pipeline_mode<synchronous>, transform_indices = @transform_2, window_bounds = array<i64: 128, 128>}, {pipeline_mode = #tpu.pipeline_mode<synchronous>, transform_indices = @transform_3, window_bounds = array<i64: 1, 128>}, {transform_indices = @transform_4, window_bounds = array<i64: 2000, 128>}]} {
    %get3A = arith.constant 0 : index
    %get3A_0 = arith.constant 0 : index
    %get3A_1 = arith.constant 0 : index
    %get3A_2 = vector.load %arg2[%get3A, %get3A_0, %get3A_1] : memref<2x2000x128xf32, #tpu.memory_space<vmem>>, vector<1x2000x128xf32>
    %get3A_3 = vector.shape_cast %get3A_2 : vector<1x2000x128xf32> to vector<2000x128xf32>
    %get3A_4 = arith.constant 1 : index
    %get3A_5 = arith.constant 0 : index
    %get3A_6 = arith.constant 0 : index
    %get3A_7 = vector.load %arg2[%get3A_4, %get3A_5, %get3A_6] : memref<2x2000x128xf32, #tpu.memory_space<vmem>>, vector<1x2000x128xf32>
    %get3A_8 = vector.shape_cast %get3A_7 : vector<1x2000x128xf32> to vector<2000x128xf32>
    %add3A = arith.addf %get3A_3, %get3A_8 : vector<2000x128xf32>
    %get3A_9 = arith.constant 0 : index
    %get3A_10 = arith.constant 0 : index
    %get3A_11 = vector.load %arg1[%get3A_9, %get3A_10] : memref<2000x128xf32, #tpu.memory_space<vmem>>, vector<2000x128xf32>
    %sub3A = arith.subf %add3A, %get3A_11 : vector<2000x128xf32>
    %get3A_12 = arith.constant 0 : index
    %get3A_13 = arith.constant 0 : index
    %get3A_14 = vector.load %arg3[%get3A_12, %get3A_13] : memref<128x128xf32, #tpu.memory_space<vmem>>, vector<128x128xf32>
    %dot_general3A = arith.constant dense<0.000000e+00> : vector<2000x128xf32>
    %dot_general3A_15 = tpu.matmul %sub3A, %get3A_14, %dot_general3A {dimension_numbers = #tpu.dot_dimension_numbers<[1], [0], [0], [1], [0, 0, 1, 1], [], []>, transpose_lhs_hint = false} : vector<2000x128xf32>, vector<128x128xf32>, vector<2000x128xf32> -> vector<2000x128xf32>
    %get3A_16 = arith.constant 0 : index
    %get3A_17 = arith.constant 0 : index
    %get3A_18 = vector.load %arg4[%get3A_16, %get3A_17] : memref<1x128xf32, #tpu.memory_space<vmem>>, vector<1x128xf32>
    %add3A_19 = vector.broadcast %get3A_18 : vector<1x128xf32> to vector<2000x128xf32>
    %add3A_20 = arith.addf %dot_general3A_15, %add3A_19 : vector<2000x128xf32>
    %max3A = arith.constant 0.000000e+00 : f32
    %max3A_21 = vector.broadcast %max3A : f32 to vector<2000x128xf32>
    %max3A_22 = arith.maximumf %add3A_20, %max3A_21 : vector<2000x128xf32>
    %reduce_max3A = arith.constant dense<0xFF800000> : vector<2000xf32>
    %reduce_max3A_23 = vector.multi_reduction <maximumf>, %max3A_22, %reduce_max3A [1] : vector<2000x128xf32> to vector<2000xf32>
    %broadcast_in_dim3A = vector.shape_cast %reduce_max3A_23 : vector<2000xf32> to vector<2000x1xf32>
    %sub3A_24 = vector.broadcast %broadcast_in_dim3A : vector<2000x1xf32> to vector<2000x128xf32>
    %sub3A_25 = arith.subf %max3A_22, %sub3A_24 : vector<2000x128xf32>
    %exp3A = math.exp %sub3A_25 : vector<2000x128xf32>
    %reduce_sum3A = arith.constant dense<0.000000e+00> : vector<2000xf32>
    %reduce_sum3A_26 = vector.multi_reduction <add>, %exp3A, %reduce_sum3A [1] : vector<2000x128xf32> to vector<2000xf32>
    %broadcast_in_dim3A_27 = vector.shape_cast %reduce_sum3A_26 : vector<2000xf32> to vector<2000x1xf32>
    %log3A = math.log %broadcast_in_dim3A_27 : vector<2000x1xf32>
    %add3A_28 = arith.addf %broadcast_in_dim3A, %log3A : vector<2000x1xf32>
    %sub3A_29 = vector.broadcast %add3A_28 : vector<2000x1xf32> to vector<2000x128xf32>
    %sub3A_30 = arith.subf %max3A_22, %sub3A_29 : vector<2000x128xf32>
    %swap3A = arith.constant 0 : index
    %swap3A_31 = arith.constant 0 : index
    %swap3A_32 = vector.load %arg5[%swap3A, %swap3A_31] : memref<2000x128xf32, #tpu.memory_space<vmem>>, vector<2000x128xf32>
    tpu.vector_store %arg5[%swap3A, %swap3A_31], %sub3A_30 {strides = array<i32>} : memref<2000x128xf32, #tpu.memory_space<vmem>>, vector<2000x128xf32>,
    return
  }
  func.func @transform_0(%arg0: i32) -> (i32, i32) {
    %c0_i32 = arith.constant 0 : i32
    %c0_i32_0 = arith.constant 0 : i32
    return %arg0, %c0_i32 : i32, i32
  }
  func.func @transform_1(%arg0: i32) -> (i32, i32, i32) {
    %c0_i32 = arith.constant 0 : i32
    %c0_i32_0 = arith.constant 0 : i32
    %c0_i32_1 = arith.constant 0 : i32
    return %c0_i32, %arg0, %c0_i32_0 : i32, i32, i32
  }
  func.func @transform_2(%arg0: i32) -> (i32, i32) {
    %c0_i32 = arith.constant 0 : i32
    %c0_i32_0 = arith.constant 0 : i32
    %c0_i32_1 = arith.constant 0 : i32
    return %c0_i32, %c0_i32_0 : i32, i32
  }
  func.func @transform_3(%arg0: i32) -> (i32, i32) {
    %c0_i32 = arith.constant 0 : i32
    %c0_i32_0 = arith.constant 0 : i32
    %c0_i32_1 = arith.constant 0 : i32
    return %c0_i32, %c0_i32_0 : i32, i32
  }
  func.func @transform_4(%arg0: i32) -> (i32, i32) {
    %c0_i32 = arith.constant 0 : i32
    %c0_i32_0 = arith.constant 0 : i32
    return %arg0, %c0_i32 : i32, i32
  }
}

module attributes {stable_mosaic.version = 14 : i64} {
  func.func @body(%arg0: i32, %arg1: memref<2000x128xf32, #tpu.memory_space<vmem>>, %arg2: memref<2x2000x128xf32, #tpu.memory_space<vmem>>, %arg3: memref<128x128xf32, #tpu.memory_space<vmem>>, %arg4: memref<1x128xf32, #tpu.memory_space<vmem>>, %arg5: memref<2000x128xf32, #tpu.memory_space<vmem>>) attributes {dimension_semantics = [#tpu.dimension_semantics<arbitrary>], iteration_bounds = array<i64: 5>, scalar_prefetch = 0 : i64, scratch_operands = 0 : i64, tpu.core_type = #tpu.core_type<tc>, window_params = [{transform_indices = @transform_0, window_bounds = array<i64: 2000, 128>}, {transform_indices = @transform_1, window_bounds = array<i64: 2, 2000, 128>}, {pipeline_mode = #tpu.pipeline_mode<synchronous>, transform_indices = @transform_2, window_bounds = array<i64: 128, 128>}, {pipeline_mode = #tpu.pipeline_mode<synchronous>, transform_indices = @transform_3, window_bounds = array<i64: 1, 128>}, {transform_indices = @transform_4, window_bounds = array<i64: 2000, 128>}]} {
    %get3A = arith.constant 0 : index
    %get3A_0 = arith.constant 0 : index
    %get3A_1 = arith.constant 0 : index
    %get3A_2 = vector.load %arg2[%get3A, %get3A_0, %get3A_1] : memref<2x2000x128xf32, #tpu.memory_space<vmem>>, vector<1x2000x128xf32>
    %get3A_3 = vector.shape_cast %get3A_2 : vector<1x2000x128xf32> to vector<2000x128xf32>
    %get3A_4 = arith.constant 1 : index
    %get3A_5 = arith.constant 0 : index
    %get3A_6 = arith.constant 0 : index
    %get3A_7 = vector.load %arg2[%get3A_4, %get3A_5, %get3A_6] : memref<2x2000x128xf32, #tpu.memory_space<vmem>>, vector<1x2000x128xf32>
    %get3A_8 = vector.shape_cast %get3A_7 : vector<1x2000x128xf32> to vector<2000x128xf32>
    %add3A = arith.addf %get3A_3, %get3A_8 : vector<2000x128xf32>
    %get3A_9 = arith.constant 0 : index
    %get3A_10 = arith.constant 0 : index
    %get3A_11 = vector.load %arg1[%get3A_9, %get3A_10] : memref<2000x128xf32, #tpu.memory_space<vmem>>, vector<2000x128xf32>
    %sub3A = arith.subf %add3A, %get3A_11 : vector<2000x128xf32>
    %get3A_12 = arith.constant 0 : index
    %get3A_13 = arith.constant 0 : index
    %get3A_14 = vector.load %arg3[%get3A_12, %get3A_13] : memref<128x128xf32, #tpu.memory_space<vmem>>, vector<128x128xf32>
    %dot_general3A = arith.constant dense<0.000000e+00> : vector<2000x128xf32>
    %dot_general3A_15 = tpu.matmul %sub3A, %get3A_14, %dot_general3A {dimension_numbers = #tpu.dot_dimension_numbers<[1], [0], [0], [1], [0, 0, 1, 1], [], []>, transpose_lhs_hint = false} : vector<2000x128xf32>, vector<128x128xf32>, vector<2000x128xf32> -> vector<2000x128xf32>
    %get3A_16 = arith.constant 0 : index
    %get3A_17 = arith.constant 0 : index
    %get3A_18 = vector.load %arg4[%get3A_16, %get3A_17] : memref<1x128xf32, #tpu.memory_space<vmem>>, vector<1x128xf32>
    %add3A_19 = vector.broadcast %get3A_18 : vector<1x128xf32> to vector<2000x128xf32>
    %add3A_20 = arith.addf %dot_general3A_15, %add3A_19 : vector<2000x128xf32>
    %max3A = arith.constant 0.000000e+00 : f32
    %max3A_21 = vector.broadcast %max3A : f32 to vector<2000x128xf32>
    %max3A_22 = arith.maximumf %add3A_20, %max3A_21 : vector<2000x128xf32>
    %swap3A = arith.constant 0 : index
    %swap3A_23 = arith.constant 0 : index
    %swap3A_24 = vector.load %arg5[%swap3A, %swap3A_23] : memref<2000x128xf32, #tpu.memory_space<vmem>>, vector<2000x128xf32>
    tpu.vector_store %arg5[%swap3A, %swap3A_23], %max3A_22 {strides = array<i32>} : memref<2000x128xf32, #tpu.memory_space<vmem>>, vector<2000x128xf32>,
    return
  }
  func.func @transform_0(%arg0: i32) -> (i32, i32) {
    %c0_i32 = arith.constant 0 : i32
    %c0_i32_0 = arith.constant 0 : i32
    return %arg0, %c0_i32 : i32, i32
  }
  func.func @transform_1(%arg0: i32) -> (i32, i32, i32) {
    %c0_i32 = arith.constant 0 : i32
    %c0_i32_0 = arith.constant 0 : i32
    %c0_i32_1 = arith.constant 0 : i32
    return %c0_i32, %arg0, %c0_i32_0 : i32, i32, i32
  }
  func.func @transform_2(%arg0: i32) -> (i32, i32) {
    %c0_i32 = arith.constant 0 : i32
    %c0_i32_0 = arith.constant 0 : i32
    %c0_i32_1 = arith.constant 0 : i32
    return %c0_i32, %c0_i32_0 : i32, i32
  }
  func.func @transform_3(%arg0: i32) -> (i32, i32) {
    %c0_i32 = arith.constant 0 : i32
    %c0_i32_0 = arith.constant 0 : i32
    %c0_i32_1 = arith.constant 0 : i32
    return %c0_i32, %c0_i32_0 : i32, i32
  }
  func.func @transform_4(%arg0: i32) -> (i32, i32) {
    %c0_i32 = arith.constant 0 : i32
    %c0_i32_0 = arith.constant 0 : i32
    return %arg0, %c0_i32 : i32, i32
  }
}

</mosaic_0001>

<sc_bundles>
// kernel: kernel.6.cloned.1.call-start
scs
__scs_entry_jumppad:
0x0: {  	(pc) =	sbr.rel $0x88, $3  }
0x1: {  	(tag) =	ssettag $0x0;
	lr =	simm.s32 $0x1  }
0x2: {  	[smem:$0x3F9B] =	sst lr;
	_ =	strace $0xD0000000  }
0x3: {  	_ = 	snop  }
0x4: {  	_ = 	snop  }
0x5: {  	_ = 	snop  }
0x6: {  	_ = 	snop  }
0x7: {  	_ = 	snop  }
__scs_overlays_trampoline_lowered:
0x8: {  	[smem:$0x3FAA] =	sst s0  }
0x9: {  	[smem:$0x3FAB] =	sst s1  }
0xa: {  	[smem:$0x3FAC] =	sst s2  }
0xb: {  	[smem:$0x3FAD] =	sst s3  }
0xc: {  	[smem:$0x3FAE] =	sst s4  }
0xd: {  	[smem:$0x3FAF] =	sst s5  }
0xe: {  	[smem:$0x3FB0] =	sst s6  }
0xf: {  	[smem:$0x3FB1] =	sst s7  }
0x10: {  	[smem:$0x3FB2] =	sst s8  }
0x11: {  	[smem:$0x3FB3] =	sst s9;
	s0 =	simm.s32 @!p0 $0x0  }
0x12: {  	s1 =	sld [smem:$0x3F99];
	s0 =	simm.s32 @p0 $0x1  }
0x13: {  	[smem:$0x3FB4] =	sst s0;
	s0 =	simm.s32 @!p1 $0x0  }
0x14: {  	s2 =	sld [smem:$0x3F98];
	s0 =	simm.s32 @p1 $0x1  }
0x15: {  	[smem:$0x3FB5] =	sst s0;
	s0 =	simm.s32 @!p2 $0x0  }
0x16: {  	s3 =	sld [smem:$0x3FDB];
	s0 =	simm.s32 @p2 $0x1  }
0x17: {  	s4 =	simm.s32 $0x1BF5;
	[smem:$0x3FB7] =	sst s0  }
0x18: {  	s0 =	sld [smem:$0x3F9A];
	_ =	swait.ge [sflag:s4], $0x0  }
0x19: {  	s7 =	sld [smem:$0x3F9B]  }
0x1a: {  	s8 =	sadd.s32 $0xFFFFE003, lr  }
0x1b: {  	s9 =	sadd.s32 $0xFFFFFEF7, lr;
	s5 =	simm.s32 $0xFFFFFFFF;
	p2 =	slt.u32 s8, $0xFFFFF086  }
0x1c: {  	p1 =	slt.u32 s9, $0xF7A;
	s5 =	simm.s32 @!p2 $0x0  }
0x1d: {  	s5 =	simm.s32 @p1 $0x1;
	p0 =	seq.s32 s7, s2  }
0x1e: {  	s7 =	smul.u32 @!p0 $0xF7A, s2;
	p2 =	seq.s32 @!p0 s5, $0x0  }
0x1f: {  	s9 =	smul.u32 $0xF7A, s1;
	s8 =	simm.s32 @!p0 $0x1BF5;
	p2 =	por !p2, p0  }
0x20: {  	[sflag:s8] =	ssyncset.s32 @!p0 $0xFFFFF086;
	s6 =	sadd.s32 @!p0 s3, s7;
	s7 =	simm.s32 @!p0 $0x108  }
0x21: {  	s3 =	sadd.s32 s3, s9;
	s6 =	sadd.s32 @!p0 $0x88, s6;
	s7 =	simm.s32 @p2 $0x1082  }
0x22: {  	[simem:s7], [sflag:s8] =	dma.local @!p0 [hbm:s6], $0xF7A  }
0x23: {  	s9 =	sor.u32 $0xD0000000, s2;
	s6 =	simm.s32 $0x108;
	_ =	swait.ge @!p0 [sflag:s8], $0x0  }
0x24: {  	s3 =	sadd.s32 $0x88, s3;
	s6 =	simm.s32 @!p1 $0x1082;
	[sflag:s4] =	ssyncset.s32 $0xFFFFF086  }
0x25: {  	[simem:s6], [sflag:s4] =	dma.local [hbm:s3], $0xF7A  }
0x26: {  	[smem:$0x3F9B] =	sst s1;
	(tag) =	ssettag s2;
	_ =	strace s9  }
0x27: {  	s1 =	sld [smem:$0x3FAB]  }
0x28: {  	s2 =	sld [smem:$0x3FAC]  }
0x29: {  	s4 =	sld [smem:$0x3FAE]  }
0x2a: {  	p0 =	seq.s32 s5, $0x0;
	s5 =	sld [smem:$0x3FAF]  }
0x2b: {  	s6 =	sld [smem:$0x3FB0]  }
0x2c: {  	s7 =	sld [smem:$0x3FB1]  }
0x2d: {  	s3 =	simm.s32 $0x108;
	s8 =	sld [smem:$0x3FB2]  }
0x2e: {  	s3 =	simm.s32 @!p0 $0x1082;
	s9 =	sld [smem:$0x3FB3]  }
0x2f: {  	lr =	sadd.s32 s0, s3;
	s0 =	sld [smem:$0x3FAA]  }
0x30: {  	s3 =	sld [smem:$0x3FAD]  }
0x31: {  	[smem:$0x3FB6] =	sst s10  }
0x32: {  	s10 =	sld [smem:$0x3FB4];
	_ =	sdelay $0x3  }
0x33: {  	p0 =	seq.s32 s10, $0x1;
	s10 =	sld [smem:$0x3FB6];
	_ =	sdelay $0x3  }
0x34: {  	[smem:$0x3FB6] =	sst s10  }
0x35: {  	s10 =	sld [smem:$0x3FB5];
	_ =	sdelay $0x3  }
0x36: {  	p1 =	seq.s32 s10, $0x1;
	s10 =	sld [smem:$0x3FB6];
	_ =	sdelay $0x3  }
0x37: {  	[smem:$0x3FB6] =	sst s10  }
0x38: {  	s10 =	sld [smem:$0x3FB7]  }
0x39: {  	_ = 	snop;
	(pc) =	sbr.ind lr, $3  }
0x3a: {  	_ = 	snop  }
0x3b: {  	_ = 	snop  }
0x3c: {  	p2 =	seq.s32 s10, $0x1;
	s10 =	sld [smem:$0x3FB6]  }
0x3d: {  	_ =	shalt  }
0x3e: {  	_ =	shalt  }
0x3f: {  	_ =	shalt  }
0x40: {  	_ =	shalt  }
0x41: {  	_ =	shalt  }
0x42: {  	_ =	shalt  }
0x43: {  	_ =	shalt  }
0x44: {  	_ =	shalt  }
0x45: {  	_ =	shalt  }
0x46: {  	_ =	shalt  }
0x47: {  	_ =	shalt  }
0x48: {  	_ =	shalt  }
0x49: {  	_ =	shalt  }
0x4a: {  	_ =	shalt  }
0x4b: {  	_ =	shalt  }
0x4c: {  	_ =	shalt  }
0x4d: {  	_ =	shalt  }
0x4e: {  	_ =	shalt  }
0x4f: {  	_ =	shalt  }
0x50: {  	_ =	shalt  }
0x51: {  	_ =	shalt  }
0x52: {  	_ =	shalt  }
0x53: {  	_ =	shalt  }
0x54: {  	_ =	shalt  }
0x55: {  	_ =	shalt  }
0x56: {  	_ =	shalt  }
0x57: {  	_ =	shalt  }
0x58: {  	_ =	shalt  }
0x59: {  	_ =	shalt  }
0x5a: {  	_ =	shalt  }
0x5b: {  	_ =	shalt  }
0x5c: {  	_ =	shalt  }
0x5d: {  	_ =	shalt  }
0x5e: {  	_ =	shalt  }
0x5f: {  	_ =	shalt  }
0x60: {  	_ =	shalt  }
0x61: {  	_ =	shalt  }
0x62: {  	_ =	shalt  }
0x63: {  	_ =	shalt  }
0x64: {  	_ =	shalt  }
0x65: {  	_ =	shalt  }
0x66: {  	_ =	shalt  }
0x67: {  	_ =	shalt  }
0x68: {  	_ =	shalt  }
0x69: {  	_ =	shalt  }
0x6a: {  	_ =	shalt  }
0x6b: {  	_ =	shalt  }
0x6c: {  	_ =	shalt  }
0x6d: {  	_ =	shalt  }
0x6e: {  	_ =	shalt  }
0x6f: {  	_ =	shalt  }
0x70: {  	_ =	shalt  }
0x71: {  	_ =	shalt  }
0x72: {  	_ =	shalt  }
0x73: {  	_ =	shalt  }
0x74: {  	_ =	shalt  }
0x75: {  	_ =	shalt  }
0x76: {  	_ =	shalt  }
0x77: {  	_ =	shalt  }
0x78: {  	_ =	shalt  }
0x79: {  	_ =	shalt  }
0x7a: {  	_ =	shalt  }
0x7b: {  	_ =	shalt  }
0x7c: {  	_ =	shalt  }
0x7d: {  	_ =	shalt  }
0x7e: {  	_ =	shalt  }
0x7f: {  	_ =	shalt  }
0x80: {  	_ =	shalt  }
0x81: {  	_ =	shalt  }
0x82: {  	_ =	shalt  }
0x83: {  	_ =	shalt  }
0x84: {  	_ =	shalt  }
0x85: {  	_ =	shalt  }
0x86: {  	_ =	shalt  }
0x87: {  	_ =	shalt  }
.Lfunc_end0:
.L_simem_size_0:
called_computation_lowered:
.L_overlay_start_0:
0x88: {  	s2 =	sld [smem:$0x3FD9]  }
0x89: {  	s3 =	sld [smem:$0x3FFE];
	_ =	sdelay $0x1  }
0x8a: {  	s1 =	srdreg.scid  }
0x8b: {  	s0 =	sand.u32 $0x1, s1  }
0x8c: {  	s17 =	sshll.u32 s0, $0xA;
	s2 =	sadd.s32 s3, s2  }
0x8d: {  	s2 =	sadd.s32 s2, s17  }
0x8e: {  	[smem:$0x3FC2] =	sst s2  }
0x8f: {  	_ = 	snop  }
0x90: {  	s2 =	sld [smem:$0x3FC9];
	(tm) =	ssettm $0x1  }
0x91: {  	s18 =	sld [smem:$0x3FFB];
	_ =	sdelay $0x3  }
0x92: {  	_ =	strace s18  }
0x93: {  	s3 =	sld [smem:$0x3FFC];
	_ =	sdelay $0x3  }
0x94: {  	_ =	strace s3  }
0x95: {  	s3 =	sld [smem:$0x3FFD];
	_ =	sdelay $0x3  }
0x96: {  	_ =	strace s3  }
0x97: {  	_ =	strace $0x8FFFFFFF  }
0x98: {  	s19 =	sld [smem:$0x3FDB];
	_ =	sdelay $0x1  }
0x99: {  	s4 =	simm.s32 $_scs_section_size  }
0x9a: {  	s5 =	simm.s32 $_size__tile_overlayer_lowered;
	s6 =	simm.s32 $_tile_overlayer_lowered  }
0x9b: {  	s22 =	simm.s32 $0x1BFF;
	s21 =	sshll.u32 s6, $0x1;
	s3 =	sadd.s32 s4, s19  }
0x9c: {  	s7 =	simm.s32 $0x0;
	s20 =	sshll.u32 s5, $0x1;
	s5 =	sadd.s32 s21, s3  }
0x9d: {  	[timem:s7], [sflag:s22] =	dma.local [hbm:s5], s20  }
0x9e: {  	_ =	swait.ge [sflag:s22], s20  }
0x9f: {  	s4 =	ssub.s32 $0x0, s20;
	[sflag:s22] =	ssyncset.done $0x0  }
0xa0: {  	[sflag:s22] =	ssyncadd.s32 s4;
	_ =	sdelay $0x1  }
0xa1: {  	s23 =	simm.s32 $0x1B8B  }
0xa2: {  	_ =	swait.ge [sflag:s23], $0x1  }
0xa3: {  	[sflag:s23] =	ssyncset.done $0x0  }
0xa4: {  	s25 =	simm.s32 $0x1B8E;
	s24 =	sld [smem:$0x3FFE];
	[sflag:s23] =	ssyncadd.s32 $0xFFFFFFFF  }
0xa5: {  	s26 =	simm.s32 $execute0_lowered;
	[smem:$0x3FD2] =	sst s25  }
0xa6: {  	s5 =	sshll.u32 s26, $0x1;
	_ =	strace $0x80000046;
	[dreg:$0x1] =	wrdreg $0xFFFFFFFF  }
0xa7: {  	s28 =	simm.s32 $_size_execute0_lowered;
	s3 =	sadd.s32 s3, s5;
	[dreg:$0x0] =	wrdreg $0x0  }
0xa8: {  	s5 =	sshll.u32 s28, $0x1;
	[dreg:$0x2] =	wrdreg s3  }
0xa9: {  	[dreg:$0x3] =	wrdreg s5  }
0xaa: {  	[dreg:$0x4] =	wrdreg $0xC0  }
0xab: {  	_ =	task [dreg:s7], $0x5FFFF  }
0xac: {  	[dreg:$0x1] =	wrdreg $0xFFFFFFFF  }
0xad: {  	[dreg:$0x0] =	wrdreg $0x60  }
0xae: {  	[dreg:$0x2] =	wrdreg s2  }
0xaf: {  	[dreg:$0x3] =	wrdreg s24  }
0xb0: {  	[dreg:$0x4] =	wrdreg $0xC7000  }
0xb1: {  	[dreg:$0x5] =	wrdreg $0x9  }
0xb2: {  	_ =	task.clear_ibuf [dreg:s7], $0x6FFFF;
	_ =	strace $0x90000046  }
0xb3: {  	s29 =	simm.s32 $0x9;
	_ =	strace $0x80000048  }
0xb4: {  	_ =	swait.ge [sflag:s29], $0x1  }
0xb5: {  	[sflag:s29] =	ssyncadd.s32 $0xFFFFFFFF  }
0xb6: {  	_ =	strace $0x90000048  }
0xb7: {  	_ =	sfence  }
0xb8: {  	s30 =	sld [smem:$0x0];
	_ =	sdelay $0x2  }
0xb9: {  	s31 =	sshll.u32 s1, $0xD;
	s1 =	sshrl.u32 s1, $0x2  }
0xba: {  	s3 =	sand.u32 $0x4000, s31;
	s1 =	sadd.s32 s1, s30  }
0xbb: {  	s0 =	sor.u32 s3, s0;
	s1 =	sshll.u32 s1, $0x11  }
0xbc: {  	s0 =	sor.u32 s1, s0  }
0xbd: {  	s0 =	sadd.s32 $0x8F2B, s0  }
0xbe: {  	[sflag:s0] =	ssyncadd.remote.s32 $0x1  }
0xbf: {  	_ =	sfence.sel $0xFFFF  }
0xc0: {  	[dreg:$0x0] =	wrdreg $0xFFFFFFFF;
	(pc) =	sbr.abs _section_cstart, $3  }
0xc1: {  	[dreg:$0x1] =	wrdreg $0xFFFFFFFF  }
0xc2: {  	_ =	task.clear_ibuf [dreg:s7], $0x2FFFF;
	_ =	strace $0x9FFFFFFF  }
0xc3: {  	(tm) =	ssettm $0x7FFFFFFF  }
tec
execute0_lowered:
.L_overlay_start_1:
0x0: {  	(tag) =	ssettag $0x1  }
0x1: {  	s0 =	rddreg [dreg:$0x0]  }
0x2: {  	s1 =	srdreg.scid;
	s4 =	rddreg [dreg:$0x1]  }
0x3: {  	s13 =	stileid.u32;
	s2 =	rddreg [dreg:$0x2]  }
0x4: {  	s3 =	simm.s32 $0x0;
	s17 =	simm.s32 $0x50;
	s18 =	simm.s32 $0x4F00  }
0x5: {  	s19 =	simm.s32 $0x7700;
	s20 =	simm.s32 $0x5;
	s21 =	simm.s32 $0x4  }
0x6: {  	s22 =	simm.s32 $0x9F00;
	s23 =	simm.s32 $0x1;
	s24 =	simm.s32 $0x6  }
0x7: {  	s28 =	simm.s32 $0x4E40;
	s29 =	simm.s32 $0x0;
	s5 =	sand.u32 $0x1, s1  }
0x8: {  	s25 =	sshll.u32 s13, $0x1;
	[smem:$0x7FF] =	sst s3;
	s7 =	smul.u32 $0x4E000, s13  }
0x9: {  	s10 =	smul.u32 $0x13800, s13;
	s11 =	sadd.s32 $0x15A00, s4;
	s15 =	sadd.s32 $0x138000, s2  }
0xa: {  	p0 =	sne.s32 s13, $0x0;
	s1 =	sor.u32 s5, s25;
	_ =	strace $0x80000047  }
0xb: {  	s26 =	ssub.s32 $0x2, s5;
	s31 =	smul.u32 $0x138800, s5;
	s15 =	sshrl.u32 @!p0 s15, $0x3  }
0xc: {  	s25 =	simm.s32 $0x3;
	s6 =	smul.u32 $0x2710, s1;
	s9 =	sshrl.u32 s26, $0x1  }
0xd: {  	s7 =	sshrl.u32 s7, $0x2;
	s30 =	sshrl.u32 s10, $0x3;
	s12 =	ssub.s32 s26, s9  }
0xe: {  	s14 =	sadd.s32 s7, s2;
	s5 =	sadd.s32 s0, s30;
	s10 =	sadd.s32 s10, s31  }
0xf: {  	s9 =	sshrl.u32 s31, $0x3;
	s6 =	sshrl.u32 s6, $0x3;
	s10 =	sshrl.u32 s10, $0x3  }
0x10: {  	s16 =	sadd.s32 s11, s9;
	s9 =	sadd.s32 $0x27000, s0;
	s12 =	smax.u32 s12, $0x1  }
0x11: {  	s8 =	sadd.s32 s6, s4;
	s4 =	sshll.u32 s13, $0x6;
	s10 =	sadd.s32 s11, s10  }
0x12: {  	s11 =	sadd.s32 $0x27000, s16;
	s13 =	sshrl.u32 s14, $0x3;
	s16 =	simm.s32 $0x2  }
0x13: {  	s6 =	sor.u32 $0x1C05, s4;
	s7 =	sadd.s32 $0x2000, s8;
	s8 =	sadd.s32 $0xBC40, s8  }
.LBB2_1:
0x14: {  	[spmem:s13], [sflag:s6] =	dma.local [hbm:s5], $0x2700  }
0x15: {  	[tilespmem:s3], [sflag:$0x2] =	stream.linear.gather [hbm4b:s7+s3], $0x2710, $0x38;
	[tilespmem:$0x1FF80] =	vst v63  }
0x16: {  	s1 =	simm.s32 $0x2780;
	s30 =	simm.s32 @!p0 $0x1C03  }
0x17: {  	[tilespmem:s1], [sflag:$0x4] =	stream.linear.gather [hbm4b:s8+s3], $0x2710, $0x38;
	[tilespmem:$0x1FF80] =	vst v63  }
0x18: {  	[spmem:s15], [sflag:s30] =	dma.local @!p0 [hbm:s9], $0x100  }
0x19: {  	s30 =	simm.s32 @!p0 $0x3  }
0x1a: {  	_ =	swait.ge @!p0 [sflag:s30], $0x100  }
0x1b: {  	[sflag:s30] =	ssyncset.done @!p0 $0x0  }
0x1c: {  	[sflag:s30] =	ssyncadd.s32 @!p0 $0xFFFFFF00  }
0x1d: {  	_ =	swait.ge [sflag:s16], $0x2710  }
0x1e: {  	[sflag:s16] =	ssyncset.done $0x0  }
0x1f: {  	[sflag:s16] =	ssyncadd.s32 $0xFFFFD8F0  }
0x20: {  	[tilespmem:s18], [sflag:$0x1] =	stream.indirect.gather [hbm4b:s0+s17], $0x80, s3, s17, $0xb8;
	[tilespmem:$0x1FF80] =	vst v63  }
0x21: {  	_ = 	snop  }
0x22: {  	[tilespmem:s19], [sflag:$0x2] =	stream.indirect.gather [hbm4b:s0+s17], $0x80, s17, s17, $0xb8;
	[tilespmem:$0x1FF80] =	vst v63  }
0x23: {  	_ =	swait.ge [sflag:s20], $0x2700  }
0x24: {  	[sflag:s20] =	ssyncset.done $0x0  }
0x25: {  	[sflag:s20] =	ssyncadd.s32 $0xFFFFD900  }
0x26: {  	_ =	swait.ge [sflag:s21], $0x2710  }
0x27: {  	[sflag:s21] =	ssyncset.done $0x0  }
0x28: {  	[sflag:s21] =	ssyncadd.s32 $0xFFFFD8F0  }
0x29: {  	s30 =	simm.s32 $0xA0;
	[bflag:$0x0] =	sbarrier.arrive $0xFFFF  }
0x2a: {  	[tilespmem:s22], [sflag:$0x3] =	stream.indirect.gather [hbm4b:s0+s17], $0x80, s30, s17, $0xb8;
	[tilespmem:$0x1FF80] =	vst v63  }
0x2b: {  	_ =	swait.ge [sflag:s23], $0x2800  }
0x2c: {  	[sflag:s23] =	ssyncset.done $0x0  }
0x2d: {  	s30 =	simm.s32 $0x2780;
	[sflag:s23] =	ssyncadd.s32 $0xFFFFD800  }
0x2e: {  	[spmem:s2] =	stream.indirect.scatter.add.f32 [tilespmem:s18], [sflag:$0x6], $0x80, s30, s17, $0xb8;
	[tilespmem:$0x1FF80] =	vst v63  }
0x2f: {  	_ =	swait.ge [sflag:s24], $0x2800  }
0x30: {  	[sflag:s24] =	ssyncset.done $0x0  }
0x31: {  	s30 =	simm.s32 $0xF0;
	[sflag:s24] =	ssyncadd.s32 $0xFFFFD800  }
0x32: {  	[tilespmem:s18], [sflag:$0x1] =	stream.indirect.gather [hbm4b:s0+s17], $0x80, s30, s17, $0xb8;
	[tilespmem:$0x1FF80] =	vst v63  }
0x33: {  	_ =	swait.ge [sflag:s16], $0x2800  }
0x34: {  	[sflag:s16] =	ssyncset.done $0x0  }
0x35: {  	s30 =	simm.s32 $0x27D0;
	[sflag:s16] =	ssyncadd.s32 $0xFFFFD800  }
0x36: {  	[spmem:s2] =	stream.indirect.scatter.add.f32 [tilespmem:s19], [sflag:$0x6], $0x80, s30, s17, $0xb8;
	[tilespmem:$0x1FF80] =	vst v63  }
0x37: {  	_ =	swait.ge [sflag:s24], $0x2800  }
0x38: {  	[sflag:s24] =	ssyncset.done $0x0  }
0x39: {  	s30 =	simm.s32 $0x140;
	[sflag:s24] =	ssyncadd.s32 $0xFFFFD800  }
0x3a: {  	[tilespmem:s19], [sflag:$0x2] =	stream.indirect.gather [hbm4b:s0+s17], $0x80, s30, s17, $0xb8;
	[tilespmem:$0x1FF80] =	vst v63  }
0x3b: {  	_ =	swait.ge [sflag:s25], $0x2800  }
0x3c: {  	[sflag:s25] =	ssyncset.done $0x0  }
0x3d: {  	s30 =	simm.s32 $0x2820;
	[sflag:s25] =	ssyncadd.s32 $0xFFFFD800  }
0x3e: {  	[spmem:s2] =	stream.indirect.scatter.add.f32 [tilespmem:s22], [sflag:$0x6], $0x80, s30, s17, $0xb8;
	[tilespmem:$0x1FF80] =	vst v63  }
0x3f: {  	_ =	swait.ge [sflag:s24], $0x2800  }
0x40: {  	s31 =	simm.s32 $0x780;
	s30 =	simm.s32 $0xF0;
	[sflag:s24] =	ssyncset.done $0x0  }
.LBB2_2:
0x41: {  	s1 =	sadd.s32 $0xA0, s30  }
0x42: {  	[sflag:s24] =	ssyncadd.s32 $0xFFFFD800;
	s14 =	smov.u32 s31;
	s26 =	sadd.s32 $0x3C0, s31  }
0x43: {  	[tilespmem:s22], [sflag:$0x3] =	stream.indirect.gather [hbm4b:s0+s17], $0x80, s1, s17, $0xb8;
	[tilespmem:$0x1FF80] =	vst v63  }
0x44: {  	p1 =	sne.s32 s31, $0x9600;
	_ =	swait.ge [sflag:s23], $0x2800  }
0x45: {  	[sflag:s23] =	ssyncset.done $0x0  }
0x46: {  	s1 =	sadd.s32 $0x2780, s30;
	[sflag:s23] =	ssyncadd.s32 $0xFFFFD800  }
0x47: {  	[spmem:s2] =	stream.indirect.scatter.add.f32 [tilespmem:s18], [sflag:$0x6], $0x80, s1, s17, $0xb8;
	[tilespmem:$0x1FF80] =	vst v63  }
0x48: {  	_ =	swait.ge [sflag:s24], $0x2800  }
0x49: {  	[sflag:s24] =	ssyncset.done $0x0  }
0x4a: {  	s1 =	sadd.s32 $0xF0, s30;
	[sflag:s24] =	ssyncadd.s32 $0xFFFFD800  }
0x4b: {  	[tilespmem:s18], [sflag:$0x1] =	stream.indirect.gather [hbm4b:s0+s17], $0x80, s1, s17, $0xb8;
	[tilespmem:$0x1FF80] =	vst v63  }
0x4c: {  	_ =	swait.ge [sflag:s16], $0x2800  }
0x4d: {  	[sflag:s16] =	ssyncset.done $0x0  }
0x4e: {  	s1 =	sadd.s32 $0x27D0, s30;
	[sflag:s16] =	ssyncadd.s32 $0xFFFFD800  }
0x4f: {  	[spmem:s2] =	stream.indirect.scatter.add.f32 [tilespmem:s19], [sflag:$0x6], $0x80, s1, s17, $0xb8;
	[tilespmem:$0x1FF80] =	vst v63  }
0x50: {  	_ =	swait.ge [sflag:s24], $0x2800  }
0x51: {  	[sflag:s24] =	ssyncset.done $0x0  }
0x52: {  	s1 =	sadd.s32 $0x140, s30;
	[sflag:s24] =	ssyncadd.s32 $0xFFFFD800  }
0x53: {  	[tilespmem:s19], [sflag:$0x2] =	stream.indirect.gather [hbm4b:s0+s17], $0x80, s1, s17, $0xb8;
	[tilespmem:$0x1FF80] =	vst v63  }
0x54: {  	_ =	swait.ge [sflag:s25], $0x2800  }
.Ltmp0:
0x55: {  	[sflag:s25] =	ssyncset.done $0x0;
	(pc) =	sbr.rel @p1 .LBB2_2-.Ltmp0, $4  }
0x56: {  	s1 =	sadd.s32 $0x2820, s30;
	[sflag:s25] =	ssyncadd.s32 $0xFFFFD800  }
0x57: {  	[spmem:s2] =	stream.indirect.scatter.add.f32 [tilespmem:s22], [sflag:$0x6], $0x80, s1, s17, $0xb8;
	[tilespmem:$0x1FF80] =	vst v63  }
0x58: {  	_ =	swait.ge [sflag:s24], $0x2800  }
0x59: {  	s31 =	smov.u32 s26;
	s30 =	sshra.s32 s14, $0x2;
	[sflag:s24] =	ssyncset.done $0x0  }
0x5a: {  	s1 =	sadd.s32 $0xA0, s30;
	[sflag:s24] =	ssyncadd.s32 $0xFFFFD800  }
0x5b: {  	[tilespmem:s22], [sflag:$0x3] =	stream.indirect.gather [hbm4b:s0+s17], $0x80, s1, s17, $0xb8;
	[tilespmem:$0x1FF80] =	vst v63  }
0x5c: {  	_ =	swait.ge [sflag:s23], $0x2800  }
0x5d: {  	[sflag:s23] =	ssyncset.done $0x0  }
0x5e: {  	s26 =	sadd.s32 $0x2780, s30;
	[sflag:s23] =	ssyncadd.s32 $0xFFFFD800  }
0x5f: {  	[spmem:s2] =	stream.indirect.scatter.add.f32 [tilespmem:s18], [sflag:$0x6], $0x80, s26, s17, $0xb8;
	[tilespmem:$0x1FF80] =	vst v63  }
0x60: {  	_ =	swait.ge [sflag:s24], $0x2800  }
0x61: {  	[sflag:s24] =	ssyncset.done $0x0  }
0x62: {  	s31 =	sadd.s32 $0xF0, s30;
	[sflag:s24] =	ssyncadd.s32 $0xFFFFD800  }
0x63: {  	[tilespmem:s18], [sflag:$0x1] =	stream.indirect.gather [hbm4b:s0+s17], $0x80, s31, s17, $0xb8;
	[tilespmem:$0x1FF80] =	vst v63  }
0x64: {  	_ =	swait.ge [sflag:s16], $0x2800  }
0x65: {  	[sflag:s16] =	ssyncset.done $0x0  }
0x66: {  	s14 =	sadd.s32 $0x27D0, s30;
	[sflag:s16] =	ssyncadd.s32 $0xFFFFD800  }
0x67: {  	[spmem:s2] =	stream.indirect.scatter.add.f32 [tilespmem:s19], [sflag:$0x6], $0x80, s14, s17, $0xb8;
	[tilespmem:$0x1FF80] =	vst v63  }
0x68: {  	_ =	swait.ge [sflag:s24], $0x2800  }
0x69: {  	[sflag:s24] =	ssyncset.done $0x0  }
0x6a: {  	s26 =	sadd.s32 $0x140, s30;
	[sflag:s24] =	ssyncadd.s32 $0xFFFFD800  }
0x6b: {  	[tilespmem:s19], [sflag:$0x2] =	stream.indirect.gather [hbm4b:s0+s17], $0x80, s26, s17, $0xb8;
	[tilespmem:$0x1FF80] =	vst v63  }
0x6c: {  	_ =	swait.ge [sflag:s25], $0x2800  }
0x6d: {  	[sflag:s25] =	ssyncset.done $0x0  }
0x6e: {  	s30 =	sadd.s32 $0x2820, s30;
	[sflag:s25] =	ssyncadd.s32 $0xFFFFD800  }
0x6f: {  	[spmem:s2] =	stream.indirect.scatter.add.f32 [tilespmem:s22], [sflag:$0x6], $0x80, s30, s17, $0xb8;
	[tilespmem:$0x1FF80] =	vst v63  }
0x70: {  	_ =	swait.ge [sflag:s24], $0x2800  }
0x71: {  	[sflag:s24] =	ssyncset.done $0x0  }
0x72: {  	[sflag:s24] =	ssyncadd.s32 $0xFFFFD800  }
0x73: {  	_ =	swait.ge [sflag:s23], $0x2800  }
0x74: {  	[sflag:s23] =	ssyncset.done $0x0  }
0x75: {  	s31 =	simm.s32 $0x4DF0;
	[sflag:s23] =	ssyncadd.s32 $0xFFFFD800  }
0x76: {  	[spmem:s2] =	stream.indirect.scatter.add.f32 [tilespmem:s18], [sflag:$0x6], $0x80, s31, s17, $0xb8;
	[tilespmem:$0x1FF80] =	vst v63  }
0x77: {  	_ =	swait.ge [sflag:s24], $0x2800  }
0x78: {  	[sflag:s24] =	ssyncset.done $0x0  }
0x79: {  	[sflag:s24] =	ssyncadd.s32 $0xFFFFD800  }
0x7a: {  	_ =	swait.ge [sflag:s16], $0x2800  }
0x7b: {  	[sflag:s16] =	ssyncset.done $0x0  }
0x7c: {  	[sflag:s16] =	ssyncadd.s32 $0xFFFFD800  }
0x7d: {  	[spmem:s2] =	stream.indirect.scatter.add.f32 [tilespmem:s19], [sflag:$0x6], $0x80, s28, s17, $0xb8;
	[tilespmem:$0x1FF80] =	vst v63  }
0x7e: {  	_ =	swait.ge [sflag:s24], $0x2800  }
0x7f: {  	[sflag:s24] =	ssyncset.done $0x0  }
0x80: {  	[sflag:s24] =	ssyncadd.s32 $0xFFFFD800  }
0x81: {  	s1 =	sor.u32 $0x1C06, s4;
	[bflag:$0x0] =	sbarrier.arrive $0xFFFF  }
0x82: {  	[hbm:s10], [sflag:s1] =	dma.local [spmem:s13], $0x2700  }
0x83: {  	_ =	swait.ge [sflag:s24], $0x2700  }
0x84: {  	s29 =	sadd.s32 $0x1, s29;
	[sflag:s24] =	ssyncset.done $0x0  }
0x85: {  	p1 =	sne.s32 s29, s12;
	[sflag:s24] =	ssyncadd.s32 $0xFFFFD900  }
0x86: {  	[hbm:s11], [sflag:s1] =	dma.local @!p0 [spmem:s15], $0x100  }
.Ltmp1:
0x87: {  	_ = 	snop;
	(pc) =	sbr.rel @p1 .LBB2_1-.Ltmp1, $4  }
0x88: {  	s1 =	simm.s32 @!p0 $0x6  }
0x89: {  	_ =	swait.ge @!p0 [sflag:s1], $0x100  }
0x8a: {  	[sflag:s1] =	ssyncset.done @!p0 $0x0  }
0x8b: {  	[sflag:s1] =	ssyncadd.s32 @!p0 $0xFFFFFF00  }
0x8c: {  	_ =	sfence.sel $0x180000  }
0x8d: {  	[bflag:$0x0] =	sbarrier.arrive $0xFFFF  }
0x8e: {  	_ =	strace $0x90000047  }
0x8f: {  	[bflag:$0x2] =	sbarrier.arrive $0xFFFF  }
0x90: {  	s0 =	rddreg [dreg:$0x3]  }
0x91: {  	s0 =	sadd.s32 @!p0 $0x100000, s0  }
0x92: {  	[sflag:s0] =	ssyncadd.tile.s32 @!p0 $0x1;
	_ =	shalt  }
.Lfunc_end2:
_tile_overlayer_lowered:
.L_overlay_start_2:
0x93: {  	(tag) =	ssettag $0x2  }
0x94: {  	s0 =	rddreg [dreg:$0x0];
	s2 =	stileid.u32  }
0x95: {  	s1 =	rddreg [dreg:$0x1];
	p0 =	sne.s32 s2, $0x0  }
0x96: {  	s3 =	rddreg [dreg:$0x2];
	[bflag:$0x3] =	sbarrier.arrive $0xFFFF;
	s2 =	simm.s32 @!p0 $0x1C06  }
0x97: {  	[timem:s3], [sflag:s2] =	dma.local @!p0 [hbm:s0], s1  }
0x98: {  	s0 =	simm.s32 @!p0 $0x6  }
0x99: {  	_ =	swait.ge @!p0 [sflag:s0], s1  }
0x9a: {  	s1 =	ssub.s32 @!p0 $0x0, s1;
	[sflag:s0] =	ssyncset.done @!p0 $0x0  }
0x9b: {  	[sflag:s0] =	ssyncadd.s32 @!p0 s1  }
0x9c: {  	[bflag:$0x3] =	sbarrier.arrive $0xFFFF  }
0x9d: {  	_ =	shalt  }

// kernel: kernel.9.cloned.1.call-start
scs
__scs_entry_jumppad:
0x0: {  	(pc) =	sbr.rel $0x88, $3  }
0x1: {  	(tag) =	ssettag $0x0;
	lr =	simm.s32 $0x1  }
0x2: {  	[smem:$0x3F9B] =	sst lr;
	_ =	strace $0xD0000000  }
0x3: {  	_ = 	snop  }
0x4: {  	_ = 	snop  }
0x5: {  	_ = 	snop  }
0x6: {  	_ = 	snop  }
0x7: {  	_ = 	snop  }
__scs_overlays_trampoline_lowered:
0x8: {  	[smem:$0x3FAA] =	sst s0  }
0x9: {  	[smem:$0x3FAB] =	sst s1  }
0xa: {  	[smem:$0x3FAC] =	sst s2  }
0xb: {  	[smem:$0x3FAD] =	sst s3  }
0xc: {  	[smem:$0x3FAE] =	sst s4  }
0xd: {  	[smem:$0x3FAF] =	sst s5  }
0xe: {  	[smem:$0x3FB0] =	sst s6  }
0xf: {  	[smem:$0x3FB1] =	sst s7  }
0x10: {  	[smem:$0x3FB2] =	sst s8  }
0x11: {  	[smem:$0x3FB3] =	sst s9;
	s0 =	simm.s32 @!p0 $0x0  }
0x12: {  	s1 =	sld [smem:$0x3F99];
	s0 =	simm.s32 @p0 $0x1  }
0x13: {  	[smem:$0x3FB4] =	sst s0;
	s0 =	simm.s32 @!p1 $0x0  }
0x14: {  	s2 =	sld [smem:$0x3F98];
	s0 =	simm.s32 @p1 $0x1  }
0x15: {  	[smem:$0x3FB5] =	sst s0;
	s0 =	simm.s32 @!p2 $0x0  }
0x16: {  	s3 =	sld [smem:$0x3FDB];
	s0 =	simm.s32 @p2 $0x1  }
0x17: {  	s4 =	simm.s32 $0x1BF5;
	[smem:$0x3FB7] =	sst s0  }
0x18: {  	s0 =	sld [smem:$0x3F9A];
	_ =	swait.ge [sflag:s4], $0x0  }
0x19: {  	s7 =	sld [smem:$0x3F9B]  }
0x1a: {  	s8 =	sadd.s32 $0xFFFFE003, lr  }
0x1b: {  	s9 =	sadd.s32 $0xFFFFFEF7, lr;
	s5 =	simm.s32 $0xFFFFFFFF;
	p2 =	slt.u32 s8, $0xFFFFF086  }
0x1c: {  	p1 =	slt.u32 s9, $0xF7A;
	s5 =	simm.s32 @!p2 $0x0  }
0x1d: {  	s5 =	simm.s32 @p1 $0x1;
	p0 =	seq.s32 s7, s2  }
0x1e: {  	s7 =	smul.u32 @!p0 $0xF7A, s2;
	p2 =	seq.s32 @!p0 s5, $0x0  }
0x1f: {  	s9 =	smul.u32 $0xF7A, s1;
	s8 =	simm.s32 @!p0 $0x1BF5;
	p2 =	por !p2, p0  }
0x20: {  	[sflag:s8] =	ssyncset.s32 @!p0 $0xFFFFF086;
	s6 =	sadd.s32 @!p0 s3, s7;
	s7 =	simm.s32 @!p0 $0x108  }
0x21: {  	s3 =	sadd.s32 s3, s9;
	s6 =	sadd.s32 @!p0 $0x88, s6;
	s7 =	simm.s32 @p2 $0x1082  }
0x22: {  	[simem:s7], [sflag:s8] =	dma.local @!p0 [hbm:s6], $0xF7A  }
0x23: {  	s9 =	sor.u32 $0xD0000000, s2;
	s6 =	simm.s32 $0x108;
	_ =	swait.ge @!p0 [sflag:s8], $0x0  }
0x24: {  	s3 =	sadd.s32 $0x88, s3;
	s6 =	simm.s32 @!p1 $0x1082;
	[sflag:s4] =	ssyncset.s32 $0xFFFFF086  }
0x25: {  	[simem:s6], [sflag:s4] =	dma.local [hbm:s3], $0xF7A  }
0x26: {  	[smem:$0x3F9B] =	sst s1;
	(tag) =	ssettag s2;
	_ =	strace s9  }
0x27: {  	s1 =	sld [smem:$0x3FAB]  }
0x28: {  	s2 =	sld [smem:$0x3FAC]  }
0x29: {  	s4 =	sld [smem:$0x3FAE]  }
0x2a: {  	p0 =	seq.s32 s5, $0x0;
	s5 =	sld [smem:$0x3FAF]  }
0x2b: {  	s6 =	sld [smem:$0x3FB0]  }
0x2c: {  	s7 =	sld [smem:$0x3FB1]  }
0x2d: {  	s3 =	simm.s32 $0x108;
	s8 =	sld [smem:$0x3FB2]  }
0x2e: {  	s3 =	simm.s32 @!p0 $0x1082;
	s9 =	sld [smem:$0x3FB3]  }
0x2f: {  	lr =	sadd.s32 s0, s3;
	s0 =	sld [smem:$0x3FAA]  }
0x30: {  	s3 =	sld [smem:$0x3FAD]  }
0x31: {  	[smem:$0x3FB6] =	sst s10  }
0x32: {  	s10 =	sld [smem:$0x3FB4];
	_ =	sdelay $0x3  }
0x33: {  	p0 =	seq.s32 s10, $0x1;
	s10 =	sld [smem:$0x3FB6];
	_ =	sdelay $0x3  }
0x34: {  	[smem:$0x3FB6] =	sst s10  }
0x35: {  	s10 =	sld [smem:$0x3FB5];
	_ =	sdelay $0x3  }
0x36: {  	p1 =	seq.s32 s10, $0x1;
	s10 =	sld [smem:$0x3FB6];
	_ =	sdelay $0x3  }
0x37: {  	[smem:$0x3FB6] =	sst s10  }
0x38: {  	s10 =	sld [smem:$0x3FB7]  }
0x39: {  	_ = 	snop;
	(pc) =	sbr.ind lr, $3  }
0x3a: {  	_ = 	snop  }
0x3b: {  	_ = 	snop  }
0x3c: {  	p2 =	seq.s32 s10, $0x1;
	s10 =	sld [smem:$0x3FB6]  }
0x3d: {  	_ =	shalt  }
0x3e: {  	_ =	shalt  }
0x3f: {  	_ =	shalt  }
0x40: {  	_ =	shalt  }
0x41: {  	_ =	shalt  }
0x42: {  	_ =	shalt  }
0x43: {  	_ =	shalt  }
0x44: {  	_ =	shalt  }
0x45: {  	_ =	shalt  }
0x46: {  	_ =	shalt  }
0x47: {  	_ =	shalt  }
0x48: {  	_ =	shalt  }
0x49: {  	_ =	shalt  }
0x4a: {  	_ =	shalt  }
0x4b: {  	_ =	shalt  }
0x4c: {  	_ =	shalt  }
0x4d: {  	_ =	shalt  }
0x4e: {  	_ =	shalt  }
0x4f: {  	_ =	shalt  }
0x50: {  	_ =	shalt  }
0x51: {  	_ =	shalt  }
0x52: {  	_ =	shalt  }
0x53: {  	_ =	shalt  }
0x54: {  	_ =	shalt  }
0x55: {  	_ =	shalt  }
0x56: {  	_ =	shalt  }
0x57: {  	_ =	shalt  }
0x58: {  	_ =	shalt  }
0x59: {  	_ =	shalt  }
0x5a: {  	_ =	shalt  }
0x5b: {  	_ =	shalt  }
0x5c: {  	_ =	shalt  }
0x5d: {  	_ =	shalt  }
0x5e: {  	_ =	shalt  }
0x5f: {  	_ =	shalt  }
0x60: {  	_ =	shalt  }
0x61: {  	_ =	shalt  }
0x62: {  	_ =	shalt  }
0x63: {  	_ =	shalt  }
0x64: {  	_ =	shalt  }
0x65: {  	_ =	shalt  }
0x66: {  	_ =	shalt  }
0x67: {  	_ =	shalt  }
0x68: {  	_ =	shalt  }
0x69: {  	_ =	shalt  }
0x6a: {  	_ =	shalt  }
0x6b: {  	_ =	shalt  }
0x6c: {  	_ =	shalt  }
0x6d: {  	_ =	shalt  }
0x6e: {  	_ =	shalt  }
0x6f: {  	_ =	shalt  }
0x70: {  	_ =	shalt  }
0x71: {  	_ =	shalt  }
0x72: {  	_ =	shalt  }
0x73: {  	_ =	shalt  }
0x74: {  	_ =	shalt  }
0x75: {  	_ =	shalt  }
0x76: {  	_ =	shalt  }
0x77: {  	_ =	shalt  }
0x78: {  	_ =	shalt  }
0x79: {  	_ =	shalt  }
0x7a: {  	_ =	shalt  }
0x7b: {  	_ =	shalt  }
0x7c: {  	_ =	shalt  }
0x7d: {  	_ =	shalt  }
0x7e: {  	_ =	shalt  }
0x7f: {  	_ =	shalt  }
0x80: {  	_ =	shalt  }
0x81: {  	_ =	shalt  }
0x82: {  	_ =	shalt  }
0x83: {  	_ =	shalt  }
0x84: {  	_ =	shalt  }
0x85: {  	_ =	shalt  }
0x86: {  	_ =	shalt  }
0x87: {  	_ =	shalt  }
.Lfunc_end0:
.L_simem_size_0:
called_computation.1_lowered:
.L_overlay_start_0:
0x88: {  	s2 =	sld [smem:$0x3FD9]  }
0x89: {  	s3 =	sld [smem:$0x3FFE];
	_ =	sdelay $0x1  }
0x8a: {  	s1 =	srdreg.scid  }
0x8b: {  	s0 =	sand.u32 $0x1, s1  }
0x8c: {  	s17 =	sshll.u32 s0, $0xA;
	s2 =	sadd.s32 s3, s2  }
0x8d: {  	s2 =	sadd.s32 s2, s17  }
0x8e: {  	[smem:$0x3FC2] =	sst s2  }
0x8f: {  	_ = 	snop  }
0x90: {  	s2 =	sld [smem:$0x3FD0];
	(tm) =	ssettm $0x1  }
0x91: {  	s18 =	sld [smem:$0x3FFB];
	_ =	sdelay $0x3  }
0x92: {  	_ =	strace s18  }
0x93: {  	s3 =	sld [smem:$0x3FFC];
	_ =	sdelay $0x3  }
0x94: {  	_ =	strace s3  }
0x95: {  	s3 =	sld [smem:$0x3FFD];
	_ =	sdelay $0x3  }
0x96: {  	_ =	strace s3  }
0x97: {  	_ =	strace $0x8FFFFFFF  }
0x98: {  	s19 =	sld [smem:$0x3FDB];
	_ =	sdelay $0x1  }
0x99: {  	s4 =	simm.s32 $_scs_section_size  }
0x9a: {  	s5 =	simm.s32 $_size__tile_overlayer_lowered;
	s6 =	simm.s32 $_tile_overlayer_lowered  }
0x9b: {  	s22 =	simm.s32 $0x1BFF;
	s21 =	sshll.u32 s6, $0x1;
	s3 =	sadd.s32 s4, s19  }
0x9c: {  	s7 =	simm.s32 $0x0;
	s20 =	sshll.u32 s5, $0x1;
	s5 =	sadd.s32 s21, s3  }
0x9d: {  	[timem:s7], [sflag:s22] =	dma.local [hbm:s5], s20  }
0x9e: {  	_ =	swait.ge [sflag:s22], s20  }
0x9f: {  	s4 =	ssub.s32 $0x0, s20;
	[sflag:s22] =	ssyncset.done $0x0  }
0xa0: {  	[sflag:s22] =	ssyncadd.s32 s4;
	_ =	sdelay $0x1  }
0xa1: {  	s23 =	simm.s32 $0x1B8B  }
0xa2: {  	_ =	swait.ge [sflag:s23], $0x1  }
0xa3: {  	[sflag:s23] =	ssyncset.done $0x0  }
0xa4: {  	s25 =	simm.s32 $0x1B8E;
	s24 =	sld [smem:$0x3FFE];
	[sflag:s23] =	ssyncadd.s32 $0xFFFFFFFF  }
0xa5: {  	s26 =	simm.s32 $execute0_lowered;
	[smem:$0x3FD2] =	sst s25  }
0xa6: {  	s5 =	sshll.u32 s26, $0x1;
	_ =	strace $0x80000049;
	[dreg:$0x1] =	wrdreg $0xFFFFFFFF  }
0xa7: {  	s28 =	simm.s32 $_size_execute0_lowered;
	s3 =	sadd.s32 s3, s5;
	[dreg:$0x0] =	wrdreg $0x0  }
0xa8: {  	s5 =	sshll.u32 s28, $0x1;
	[dreg:$0x2] =	wrdreg s3  }
0xa9: {  	[dreg:$0x3] =	wrdreg s5  }
0xaa: {  	[dreg:$0x4] =	wrdreg $0xC0  }
0xab: {  	_ =	task [dreg:s7], $0x5FFFF  }
0xac: {  	[dreg:$0x1] =	wrdreg $0xFFFFFFFF  }
0xad: {  	[dreg:$0x0] =	wrdreg $0x60  }
0xae: {  	[dreg:$0x2] =	wrdreg s2  }
0xaf: {  	[dreg:$0x3] =	wrdreg s24  }
0xb0: {  	[dreg:$0x4] =	wrdreg $0xC7000  }
0xb1: {  	[dreg:$0x5] =	wrdreg $0x9  }
0xb2: {  	_ =	task.clear_ibuf [dreg:s7], $0x6FFFF;
	_ =	strace $0x90000049  }
0xb3: {  	s29 =	simm.s32 $0x9;
	_ =	strace $0x8000004B  }
0xb4: {  	_ =	swait.ge [sflag:s29], $0x1  }
0xb5: {  	[sflag:s29] =	ssyncadd.s32 $0xFFFFFFFF  }
0xb6: {  	_ =	strace $0x9000004B  }
0xb7: {  	_ =	sfence  }
0xb8: {  	s30 =	sld [smem:$0x0];
	_ =	sdelay $0x2  }
0xb9: {  	s31 =	sshll.u32 s1, $0xD;
	s1 =	sshrl.u32 s1, $0x2  }
0xba: {  	s3 =	sand.u32 $0x4000, s31;
	s1 =	sadd.s32 s1, s30  }
0xbb: {  	s0 =	sor.u32 s3, s0;
	s1 =	sshll.u32 s1, $0x11  }
0xbc: {  	s0 =	sor.u32 s1, s0  }
0xbd: {  	s0 =	sadd.s32 $0x8F2B, s0  }
0xbe: {  	[sflag:s0] =	ssyncadd.remote.s32 $0x1  }
0xbf: {  	_ =	sfence.sel $0xFFFF  }
0xc0: {  	[dreg:$0x0] =	wrdreg $0xFFFFFFFF;
	(pc) =	sbr.abs _section_cstart, $3  }
0xc1: {  	[dreg:$0x1] =	wrdreg $0xFFFFFFFF  }
0xc2: {  	_ =	task.clear_ibuf [dreg:s7], $0x2FFFF;
	_ =	strace $0x9FFFFFFF  }
0xc3: {  	(tm) =	ssettm $0x7FFFFFFF  }
tec
execute0_lowered:
.L_overlay_start_1:
0x0: {  	(tag) =	ssettag $0x1  }
0x1: {  	s0 =	rddreg [dreg:$0x0]  }
0x2: {  	s1 =	srdreg.scid;
	s4 =	rddreg [dreg:$0x1]  }
0x3: {  	s13 =	stileid.u32;
	s2 =	rddreg [dreg:$0x2]  }
0x4: {  	s3 =	simm.s32 $0x0;
	s17 =	simm.s32 $0x50;
	s18 =	simm.s32 $0x4F00  }
0x5: {  	s19 =	simm.s32 $0x7700;
	s20 =	simm.s32 $0x5;
	s21 =	simm.s32 $0x4  }
0x6: {  	s22 =	simm.s32 $0x9F00;
	s23 =	simm.s32 $0x1;
	s24 =	simm.s32 $0x6  }
0x7: {  	s28 =	simm.s32 $0x4E40;
	s29 =	simm.s32 $0x0;
	s5 =	sand.u32 $0x1, s1  }
0x8: {  	s25 =	sshll.u32 s13, $0x1;
	[smem:$0x7FF] =	sst s3;
	s7 =	smul.u32 $0x4E000, s13  }
0x9: {  	s10 =	smul.u32 $0x13800, s13;
	s11 =	sadd.s32 $0x15A00, s4;
	s15 =	sadd.s32 $0x138000, s2  }
0xa: {  	p0 =	sne.s32 s13, $0x0;
	s1 =	sor.u32 s5, s25;
	_ =	strace $0x8000004A  }
0xb: {  	s26 =	ssub.s32 $0x2, s5;
	s31 =	smul.u32 $0x138800, s5;
	s15 =	sshrl.u32 @!p0 s15, $0x3  }
0xc: {  	s25 =	simm.s32 $0x3;
	s6 =	smul.u32 $0x2710, s1;
	s9 =	sshrl.u32 s26, $0x1  }
0xd: {  	s7 =	sshrl.u32 s7, $0x2;
	s30 =	sshrl.u32 s10, $0x3;
	s12 =	ssub.s32 s26, s9  }
0xe: {  	s14 =	sadd.s32 s7, s2;
	s5 =	sadd.s32 s0, s30;
	s10 =	sadd.s32 s10, s31  }
0xf: {  	s9 =	sshrl.u32 s31, $0x3;
	s6 =	sshrl.u32 s6, $0x3;
	s10 =	sshrl.u32 s10, $0x3  }
0x10: {  	s16 =	sadd.s32 s11, s9;
	s9 =	sadd.s32 $0x27000, s0;
	s12 =	smax.u32 s12, $0x1  }
0x11: {  	s8 =	sadd.s32 s6, s4;
	s4 =	sshll.u32 s13, $0x6;
	s10 =	sadd.s32 s11, s10  }
0x12: {  	s11 =	sadd.s32 $0x27000, s16;
	s13 =	sshrl.u32 s14, $0x3;
	s16 =	simm.s32 $0x2  }
0x13: {  	s6 =	sor.u32 $0x1C05, s4;
	s7 =	sadd.s32 $0x2000, s8;
	s8 =	sadd.s32 $0xBC40, s8  }
.LBB2_1:
0x14: {  	[spmem:s13], [sflag:s6] =	dma.local [hbm:s5], $0x2700  }
0x15: {  	[tilespmem:s3], [sflag:$0x2] =	stream.linear.gather [hbm4b:s7+s3], $0x2710, $0x38;
	[tilespmem:$0x1FF80] =	vst v63  }
0x16: {  	s1 =	simm.s32 $0x2780;
	s30 =	simm.s32 @!p0 $0x1C03  }
0x17: {  	[tilespmem:s1], [sflag:$0x4] =	stream.linear.gather [hbm4b:s8+s3], $0x2710, $0x38;
	[tilespmem:$0x1FF80] =	vst v63  }
0x18: {  	[spmem:s15], [sflag:s30] =	dma.local @!p0 [hbm:s9], $0x100  }
0x19: {  	s30 =	simm.s32 @!p0 $0x3  }
0x1a: {  	_ =	swait.ge @!p0 [sflag:s30], $0x100  }
0x1b: {  	[sflag:s30] =	ssyncset.done @!p0 $0x0  }
0x1c: {  	[sflag:s30] =	ssyncadd.s32 @!p0 $0xFFFFFF00  }
0x1d: {  	_ =	swait.ge [sflag:s16], $0x2710  }
0x1e: {  	[sflag:s16] =	ssyncset.done $0x0  }
0x1f: {  	[sflag:s16] =	ssyncadd.s32 $0xFFFFD8F0  }
0x20: {  	[tilespmem:s18], [sflag:$0x1] =	stream.indirect.gather [hbm4b:s0+s17], $0x80, s3, s17, $0xb8;
	[tilespmem:$0x1FF80] =	vst v63  }
0x21: {  	_ = 	snop  }
0x22: {  	[tilespmem:s19], [sflag:$0x2] =	stream.indirect.gather [hbm4b:s0+s17], $0x80, s17, s17, $0xb8;
	[tilespmem:$0x1FF80] =	vst v63  }
0x23: {  	_ =	swait.ge [sflag:s20], $0x2700  }
0x24: {  	[sflag:s20] =	ssyncset.done $0x0  }
0x25: {  	[sflag:s20] =	ssyncadd.s32 $0xFFFFD900  }
0x26: {  	_ =	swait.ge [sflag:s21], $0x2710  }
0x27: {  	[sflag:s21] =	ssyncset.done $0x0  }
0x28: {  	[sflag:s21] =	ssyncadd.s32 $0xFFFFD8F0  }
0x29: {  	s30 =	simm.s32 $0xA0;
	[bflag:$0x0] =	sbarrier.arrive $0xFFFF  }
0x2a: {  	[tilespmem:s22], [sflag:$0x3] =	stream.indirect.gather [hbm4b:s0+s17], $0x80, s30, s17, $0xb8;
	[tilespmem:$0x1FF80] =	vst v63  }
0x2b: {  	_ =	swait.ge [sflag:s23], $0x2800  }
0x2c: {  	[sflag:s23] =	ssyncset.done $0x0  }
0x2d: {  	s30 =	simm.s32 $0x2780;
	[sflag:s23] =	ssyncadd.s32 $0xFFFFD800  }
0x2e: {  	[spmem:s2] =	stream.indirect.scatter.add.f32 [tilespmem:s18], [sflag:$0x6], $0x80, s30, s17, $0xb8;
	[tilespmem:$0x1FF80] =	vst v63  }
0x2f: {  	_ =	swait.ge [sflag:s24], $0x2800  }
0x30: {  	[sflag:s24] =	ssyncset.done $0x0  }
0x31: {  	s30 =	simm.s32 $0xF0;
	[sflag:s24] =	ssyncadd.s32 $0xFFFFD800  }
0x32: {  	[tilespmem:s18], [sflag:$0x1] =	stream.indirect.gather [hbm4b:s0+s17], $0x80, s30, s17, $0xb8;
	[tilespmem:$0x1FF80] =	vst v63  }
0x33: {  	_ =	swait.ge [sflag:s16], $0x2800  }
0x34: {  	[sflag:s16] =	ssyncset.done $0x0  }
0x35: {  	s30 =	simm.s32 $0x27D0;
	[sflag:s16] =	ssyncadd.s32 $0xFFFFD800  }
0x36: {  	[spmem:s2] =	stream.indirect.scatter.add.f32 [tilespmem:s19], [sflag:$0x6], $0x80, s30, s17, $0xb8;
	[tilespmem:$0x1FF80] =	vst v63  }
0x37: {  	_ =	swait.ge [sflag:s24], $0x2800  }
0x38: {  	[sflag:s24] =	ssyncset.done $0x0  }
0x39: {  	s30 =	simm.s32 $0x140;
	[sflag:s24] =	ssyncadd.s32 $0xFFFFD800  }
0x3a: {  	[tilespmem:s19], [sflag:$0x2] =	stream.indirect.gather [hbm4b:s0+s17], $0x80, s30, s17, $0xb8;
	[tilespmem:$0x1FF80] =	vst v63  }
0x3b: {  	_ =	swait.ge [sflag:s25], $0x2800  }
0x3c: {  	[sflag:s25] =	ssyncset.done $0x0  }
0x3d: {  	s30 =	simm.s32 $0x2820;
	[sflag:s25] =	ssyncadd.s32 $0xFFFFD800  }
0x3e: {  	[spmem:s2] =	stream.indirect.scatter.add.f32 [tilespmem:s22], [sflag:$0x6], $0x80, s30, s17, $0xb8;
	[tilespmem:$0x1FF80] =	vst v63  }
0x3f: {  	_ =	swait.ge [sflag:s24], $0x2800  }
0x40: {  	s31 =	simm.s32 $0x780;
	s30 =	simm.s32 $0xF0;
	[sflag:s24] =	ssyncset.done $0x0  }
.LBB2_2:
0x41: {  	s1 =	sadd.s32 $0xA0, s30  }
0x42: {  	[sflag:s24] =	ssyncadd.s32 $0xFFFFD800;
	s14 =	smov.u32 s31;
	s26 =	sadd.s32 $0x3C0, s31  }
0x43: {  	[tilespmem:s22], [sflag:$0x3] =	stream.indirect.gather [hbm4b:s0+s17], $0x80, s1, s17, $0xb8;
	[tilespmem:$0x1FF80] =	vst v63  }
0x44: {  	p1 =	sne.s32 s31, $0x9600;
	_ =	swait.ge [sflag:s23], $0x2800  }
0x45: {  	[sflag:s23] =	ssyncset.done $0x0  }
0x46: {  	s1 =	sadd.s32 $0x2780, s30;
	[sflag:s23] =	ssyncadd.s32 $0xFFFFD800  }
0x47: {  	[spmem:s2] =	stream.indirect.scatter.add.f32 [tilespmem:s18], [sflag:$0x6], $0x80, s1, s17, $0xb8;
	[tilespmem:$0x1FF80] =	vst v63  }
0x48: {  	_ =	swait.ge [sflag:s24], $0x2800  }
0x49: {  	[sflag:s24] =	ssyncset.done $0x0  }
0x4a: {  	s1 =	sadd.s32 $0xF0, s30;
	[sflag:s24] =	ssyncadd.s32 $0xFFFFD800  }
0x4b: {  	[tilespmem:s18], [sflag:$0x1] =	stream.indirect.gather [hbm4b:s0+s17], $0x80, s1, s17, $0xb8;
	[tilespmem:$0x1FF80] =	vst v63  }
0x4c: {  	_ =	swait.ge [sflag:s16], $0x2800  }
0x4d: {  	[sflag:s16] =	ssyncset.done $0x0  }
0x4e: {  	s1 =	sadd.s32 $0x27D0, s30;
	[sflag:s16] =	ssyncadd.s32 $0xFFFFD800  }
0x4f: {  	[spmem:s2] =	stream.indirect.scatter.add.f32 [tilespmem:s19], [sflag:$0x6], $0x80, s1, s17, $0xb8;
	[tilespmem:$0x1FF80] =	vst v63  }
0x50: {  	_ =	swait.ge [sflag:s24], $0x2800  }
0x51: {  	[sflag:s24] =	ssyncset.done $0x0  }
0x52: {  	s1 =	sadd.s32 $0x140, s30;
	[sflag:s24] =	ssyncadd.s32 $0xFFFFD800  }
0x53: {  	[tilespmem:s19], [sflag:$0x2] =	stream.indirect.gather [hbm4b:s0+s17], $0x80, s1, s17, $0xb8;
	[tilespmem:$0x1FF80] =	vst v63  }
0x54: {  	_ =	swait.ge [sflag:s25], $0x2800  }
.Ltmp0:
0x55: {  	[sflag:s25] =	ssyncset.done $0x0;
	(pc) =	sbr.rel @p1 .LBB2_2-.Ltmp0, $4  }
0x56: {  	s1 =	sadd.s32 $0x2820, s30;
	[sflag:s25] =	ssyncadd.s32 $0xFFFFD800  }
0x57: {  	[spmem:s2] =	stream.indirect.scatter.add.f32 [tilespmem:s22], [sflag:$0x6], $0x80, s1, s17, $0xb8;
	[tilespmem:$0x1FF80] =	vst v63  }
0x58: {  	_ =	swait.ge [sflag:s24], $0x2800  }
0x59: {  	s31 =	smov.u32 s26;
	s30 =	sshra.s32 s14, $0x2;
	[sflag:s24] =	ssyncset.done $0x0  }
0x5a: {  	s1 =	sadd.s32 $0xA0, s30;
	[sflag:s24] =	ssyncadd.s32 $0xFFFFD800  }
0x5b: {  	[tilespmem:s22], [sflag:$0x3] =	stream.indirect.gather [hbm4b:s0+s17], $0x80, s1, s17, $0xb8;
	[tilespmem:$0x1FF80] =	vst v63  }
0x5c: {  	_ =	swait.ge [sflag:s23], $0x2800  }
0x5d: {  	[sflag:s23] =	ssyncset.done $0x0  }
0x5e: {  	s26 =	sadd.s32 $0x2780, s30;
	[sflag:s23] =	ssyncadd.s32 $0xFFFFD800  }
0x5f: {  	[spmem:s2] =	stream.indirect.scatter.add.f32 [tilespmem:s18], [sflag:$0x6], $0x80, s26, s17, $0xb8;
	[tilespmem:$0x1FF80] =	vst v63  }
0x60: {  	_ =	swait.ge [sflag:s24], $0x2800  }
0x61: {  	[sflag:s24] =	ssyncset.done $0x0  }
0x62: {  	s31 =	sadd.s32 $0xF0, s30;
	[sflag:s24] =	ssyncadd.s32 $0xFFFFD800  }
0x63: {  	[tilespmem:s18], [sflag:$0x1] =	stream.indirect.gather [hbm4b:s0+s17], $0x80, s31, s17, $0xb8;
	[tilespmem:$0x1FF80] =	vst v63  }
0x64: {  	_ =	swait.ge [sflag:s16], $0x2800  }
0x65: {  	[sflag:s16] =	ssyncset.done $0x0  }
0x66: {  	s14 =	sadd.s32 $0x27D0, s30;
	[sflag:s16] =	ssyncadd.s32 $0xFFFFD800  }
0x67: {  	[spmem:s2] =	stream.indirect.scatter.add.f32 [tilespmem:s19], [sflag:$0x6], $0x80, s14, s17, $0xb8;
	[tilespmem:$0x1FF80] =	vst v63  }
0x68: {  	_ =	swait.ge [sflag:s24], $0x2800  }
0x69: {  	[sflag:s24] =	ssyncset.done $0x0  }
0x6a: {  	s26 =	sadd.s32 $0x140, s30;
	[sflag:s24] =	ssyncadd.s32 $0xFFFFD800  }
0x6b: {  	[tilespmem:s19], [sflag:$0x2] =	stream.indirect.gather [hbm4b:s0+s17], $0x80, s26, s17, $0xb8;
	[tilespmem:$0x1FF80] =	vst v63  }
0x6c: {  	_ =	swait.ge [sflag:s25], $0x2800  }
0x6d: {  	[sflag:s25] =	ssyncset.done $0x0  }
0x6e: {  	s30 =	sadd.s32 $0x2820, s30;
	[sflag:s25] =	ssyncadd.s32 $0xFFFFD800  }
0x6f: {  	[spmem:s2] =	stream.indirect.scatter.add.f32 [tilespmem:s22], [sflag:$0x6], $0x80, s30, s17, $0xb8;
	[tilespmem:$0x1FF80] =	vst v63  }
0x70: {  	_ =	swait.ge [sflag:s24], $0x2800  }
0x71: {  	[sflag:s24] =	ssyncset.done $0x0  }
0x72: {  	[sflag:s24] =	ssyncadd.s32 $0xFFFFD800  }
0x73: {  	_ =	swait.ge [sflag:s23], $0x2800  }
0x74: {  	[sflag:s23] =	ssyncset.done $0x0  }
0x75: {  	s31 =	simm.s32 $0x4DF0;
	[sflag:s23] =	ssyncadd.s32 $0xFFFFD800  }
0x76: {  	[spmem:s2] =	stream.indirect.scatter.add.f32 [tilespmem:s18], [sflag:$0x6], $0x80, s31, s17, $0xb8;
	[tilespmem:$0x1FF80] =	vst v63  }
0x77: {  	_ =	swait.ge [sflag:s24], $0x2800  }
0x78: {  	[sflag:s24] =	ssyncset.done $0x0  }
0x79: {  	[sflag:s24] =	ssyncadd.s32 $0xFFFFD800  }
0x7a: {  	_ =	swait.ge [sflag:s16], $0x2800  }
0x7b: {  	[sflag:s16] =	ssyncset.done $0x0  }
0x7c: {  	[sflag:s16] =	ssyncadd.s32 $0xFFFFD800  }
0x7d: {  	[spmem:s2] =	stream.indirect.scatter.add.f32 [tilespmem:s19], [sflag:$0x6], $0x80, s28, s17, $0xb8;
	[tilespmem:$0x1FF80] =	vst v63  }
0x7e: {  	_ =	swait.ge [sflag:s24], $0x2800  }
0x7f: {  	[sflag:s24] =	ssyncset.done $0x0  }
0x80: {  	[sflag:s24] =	ssyncadd.s32 $0xFFFFD800  }
0x81: {  	s1 =	sor.u32 $0x1C06, s4;
	[bflag:$0x0] =	sbarrier.arrive $0xFFFF  }
0x82: {  	[hbm:s10], [sflag:s1] =	dma.local [spmem:s13], $0x2700  }
0x83: {  	_ =	swait.ge [sflag:s24], $0x2700  }
0x84: {  	s29 =	sadd.s32 $0x1, s29;
	[sflag:s24] =	ssyncset.done $0x0  }
0x85: {  	p1 =	sne.s32 s29, s12;
	[sflag:s24] =	ssyncadd.s32 $0xFFFFD900  }
0x86: {  	[hbm:s11], [sflag:s1] =	dma.local @!p0 [spmem:s15], $0x100  }
.Ltmp1:
0x87: {  	_ = 	snop;
	(pc) =	sbr.rel @p1 .LBB2_1-.Ltmp1, $4  }
0x88: {  	s1 =	simm.s32 @!p0 $0x6  }
0x89: {  	_ =	swait.ge @!p0 [sflag:s1], $0x100  }
0x8a: {  	[sflag:s1] =	ssyncset.done @!p0 $0x0  }
0x8b: {  	[sflag:s1] =	ssyncadd.s32 @!p0 $0xFFFFFF00  }
0x8c: {  	_ =	sfence.sel $0x180000  }
0x8d: {  	[bflag:$0x0] =	sbarrier.arrive $0xFFFF  }
0x8e: {  	_ =	strace $0x9000004A  }
0x8f: {  	[bflag:$0x2] =	sbarrier.arrive $0xFFFF  }
0x90: {  	s0 =	rddreg [dreg:$0x3]  }
0x91: {  	s0 =	sadd.s32 @!p0 $0x100000, s0  }
0x92: {  	[sflag:s0] =	ssyncadd.tile.s32 @!p0 $0x1;
	_ =	shalt  }
.Lfunc_end2:
_tile_overlayer_lowered:
.L_overlay_start_2:
0x93: {  	(tag) =	ssettag $0x2  }
0x94: {  	s0 =	rddreg [dreg:$0x0];
	s2 =	stileid.u32  }
0x95: {  	s1 =	rddreg [dreg:$0x1];
	p0 =	sne.s32 s2, $0x0  }
0x96: {  	s3 =	rddreg [dreg:$0x2];
	[bflag:$0x3] =	sbarrier.arrive $0xFFFF;
	s2 =	simm.s32 @!p0 $0x1C06  }
0x97: {  	[timem:s3], [sflag:s2] =	dma.local @!p0 [hbm:s0], s1  }
0x98: {  	s0 =	simm.s32 @!p0 $0x6  }
0x99: {  	_ =	swait.ge @!p0 [sflag:s0], s1  }
0x9a: {  	s1 =	ssub.s32 @!p0 $0x0, s1;
	[sflag:s0] =	ssyncset.done @!p0 $0x0  }
0x9b: {  	[sflag:s0] =	ssyncadd.s32 @!p0 s1  }
0x9c: {  	[bflag:$0x3] =	sbarrier.arrive $0xFFFF  }
0x9d: {  	_ =	shalt  }

</sc_bundles>
